<compile_context>
chip_gen: v7x
topology: tpu7x:2x2x1
jax: 0.10.2.dev20260603
libtpu: 0.0.44.dev20260713+nightly
codegen_flags: <defaults>
</compile_context>

<pallas_src>
import functools

import jax
import jax.numpy as jnp
from jax import lax
from jax.experimental import pallas as pl
from jax.experimental.pallas import tpu as pltpu
from jax.experimental.pallas import tpu_sc as plsc

BATCH = 4096
HIST = 200
EMBED = 64
TOTAL = BATCH * HIST

NUM_CORES = 2
NUM_SUBCORES = 16
NUM_WORKERS = NUM_CORES * NUM_SUBCORES
ROWS_PER_WORKER = TOTAL // NUM_WORKERS

CHUNK = 400
NUM_CHUNKS = ROWS_PER_WORKER // CHUNK
NBUF = 4

_mesh = plsc.VectorSubcoreMesh(core_axis_name="c", subcore_axis_name="s")


@functools.partial(
    pl.kernel,
    mesh=_mesh,
    compiler_params=pltpu.CompilerParams(use_tc_tiling_on_sc=False),
    out_type=jax.ShapeDtypeStruct((TOTAL, EMBED), jnp.float32),
    scratch_types=[
        pltpu.VMEM((NUM_CHUNKS, CHUNK), jnp.int32),
        pltpu.VMEM((NBUF, CHUNK, EMBED), jnp.float32),
        pltpu.SemaphoreType.DMA((NBUF,)),
        pltpu.SemaphoreType.DMA((NBUF,)),
    ],
)
def _gather_kernel(idx_hbm, table_hbm, out_hbm, idx_v, rows_v, g_sem, w_sem):
    wid = lax.axis_index("s") * NUM_CORES + lax.axis_index("c")
    base = wid * ROWS_PER_WORKER

    def gather(i, slot):
        return pltpu.make_async_copy(
            table_hbm.at[idx_v.at[i]], rows_v.at[slot], g_sem.at[slot])

    def wb(i, slot):
        return pltpu.make_async_copy(
            rows_v.at[slot],
            out_hbm.at[pl.ds(base + i * CHUNK, CHUNK)],
            w_sem.at[slot])

    pltpu.sync_copy(idx_hbm.at[pl.ds(wid * NUM_CHUNKS, NUM_CHUNKS)], idx_v)

    gather(0, 0).start()
    gather(1, 1).start()
    gather(2, 2).start()
    gather(0, 0).wait()
    wb(0, 0).start()
    gather(3, 3).start()
    gather(1, 1).wait()
    wb(1, 1).start()
    wb(0, 0).wait()

    def body(g, carry):
        for b in range(NBUF):
            i = 2 + g * NBUF + b
            s = (2 + b) % NBUF
            gather(i + 2, (s + 2) % NBUF).start()
            gather(i, s).wait()
            wb(i, s).start()
            wb(i - 1, (s + NBUF - 1) % NBUF).wait()
        return carry

    lax.fori_loop(0, (NUM_CHUNKS - 4) // NBUF, body, 0)

    n = NUM_CHUNKS
    gather(n - 2, (n - 2) % NBUF).wait()
    wb(n - 2, (n - 2) % NBUF).start()
    wb(n - 3, (n - 3) % NBUF).wait()
    gather(n - 1, (n - 1) % NBUF).wait()
    wb(n - 1, (n - 1) % NBUF).start()
    wb(n - 2, (n - 2) % NBUF).wait()
    wb(n - 1, (n - 1) % NBUF).wait()


def kernel(input, table):
    idx = input.reshape(NUM_WORKERS * NUM_CHUNKS, CHUNK).astype(jnp.int32)
    out = _gather_kernel(idx, table)
    return out.reshape(BATCH, HIST, EMBED)

# --- scband reference (transcript-rebuilt; emitter-appended) ---
"""Pipeline reference for scband-noisy-embedding-6167573037640 (READ-ONLY COPY).

The authoritative reference and input builder live on the scoring server;
editing this copy changes nothing except your own understanding.
"""

import jax, jax.numpy as jnp
import numpy as np

VOCAB = 1000000
EMBED_DIM = 64
BATCH = 4096
HIST = 200

def setup_inputs(seed: int = 0) -> dict:
    key = jax.random.key(seed)
    k_idx, k_tab = jax.random.split(key)
    indices = jax.random.randint(k_idx, (BATCH, HIST), 0, VOCAB, dtype=jnp.int64 if jax.config.jax_enable_x64 else jnp.int32)
    table = jax.random.normal(k_tab, (VOCAB, EMBED_DIM), dtype=jnp.float32)
    return {"input": indices, "table": table}

def reference(input, table):
    # NoisyEmbedding.forward in eval mode: plain embedding lookup.
    # (In training mode the torch module adds N(0, noise_std^2) noise,
    #  which is a stochastic additive term independent of inputs.)
    embedding_output = jnp.take(table, input, axis=0)
    return embedding_output

if __name__ == "__main__":
    import jax
    _d = setup_inputs()
    print(jax.jit(kernel)(*tuple(_d.values())))

</pallas_src>

<mosaic_0001>
#map = affine_map<(d0, d1) -> (0, 0)>
module attributes {stable_mosaic.version = 14 : i64} {
  func.func @_gather_kernel(%arg0: i32, %arg1: i32, %arg2: memref<2048x400xi32, #tpu.memory_space<hbm>>, %arg3: memref<1000000x64xf32, #tpu.memory_space<hbm>>, %arg4: memref<819200x64xf32, #tpu.memory_space<hbm>>, %arg5: memref<64x400xi32, #tpu.memory_space<vmem>>, %arg6: memref<4x400x64xf32, #tpu.memory_space<vmem>>, %arg7: memref<4x!tpu.dma_semaphore, #tpu.memory_space<semaphore_mem>>, %arg8: memref<4x!tpu.dma_semaphore, #tpu.memory_space<semaphore_mem>>) attributes {dimension_semantics = [#tpu.dimension_semantics<core_parallel>, #tpu.dimension_semantics<subcore_parallel>], iteration_bounds = array<i64: 2, 16>, scalar_prefetch = 0 : i64, scratch_operands = 4 : i64, tpu.core_type = #tpu.core_type<sc_vector_subcore>, window_params = [{transform_indices = #map}, {transform_indices = #map}, {transform_indices = #map}]} {
    %mul3A = arith.constant 2 : i32
    %mul3A_0 = arith.muli %arg1, %mul3A : i32
    %add3A = arith.addi %mul3A_0, %arg0 : i32
    %mul3A_1 = arith.constant 25600 : i32
    %mul3A_2 = arith.muli %add3A, %mul3A_1 : i32
    %mul3A_3 = arith.constant 64 : i32
    %mul3A_4 = arith.muli %add3A, %mul3A_3 : i32
    "tpu.region"() ({
      %run_scoped3A = tpu.sem_alloc : memref<!tpu.dma_semaphore, #tpu.memory_space<semaphore_mem>>
      %dma_start3A_272 = arith.constant 0 : i32
      %dma_start3A_273 = tpu.memref_slice %arg2[%mul3A_4, %dma_start3A_272] : memref<2048x400xi32, #tpu.memory_space<hbm>> -> memref<64x400xi32, #tpu.memory_space<hbm>>
      %dma_start3A_274 = arith.constant 0 : i32
      %dma_start3A_275 = tpu.memref_slice %arg2[%mul3A_4, %dma_start3A_274] : memref<2048x400xi32, #tpu.memory_space<hbm>> -> memref<64x400xi32, #tpu.memory_space<hbm>>
      tpu.enqueue_dma source(%dma_start3A_275 : memref<64x400xi32, #tpu.memory_space<hbm>>) target(%arg5 : memref<64x400xi32, #tpu.memory_space<vmem>>) target_semaphore(%run_scoped3A : memref<!tpu.dma_semaphore, #tpu.memory_space<semaphore_mem>>)
      %dma_wait3A_276 = arith.constant 0 : i32
      %dma_wait3A_277 = tpu.memref_slice %arg2[%mul3A_4, %dma_wait3A_276] : memref<2048x400xi32, #tpu.memory_space<hbm>> -> memref<64x400xi32, #tpu.memory_space<hbm>>
      %dma_wait3A_278 = arith.constant 0 : i32
      %dma_wait3A_279 = tpu.memref_slice %arg2[%mul3A_4, %dma_wait3A_278] : memref<2048x400xi32, #tpu.memory_space<hbm>> -> memref<64x400xi32, #tpu.memory_space<hbm>>
      tpu.wait_dma2 semaphore(%run_scoped3A : memref<!tpu.dma_semaphore, #tpu.memory_space<semaphore_mem>>) src(%dma_wait3A_279 : memref<64x400xi32, #tpu.memory_space<hbm>>) dst(%arg5 : memref<64x400xi32, #tpu.memory_space<vmem>>)
      tpu.yield
    }) : () -> ()
    %dma_start3A = arith.constant 0 : i32
    %dma_start3A_5 = arith.constant 0 : i32
    %dma_start3A_6 = arith.constant 0 : i32
    %dma_start3A_7 = arith.constant 0 : i32
    %dma_start3A_8 = arith.constant 0 : i32
    %dma_start3A_9 = tpu.memref_slice %arg6[%dma_start3A_5, %dma_start3A_7, %dma_start3A_8] : memref<4x400x64xf32, #tpu.memory_space<vmem>> -> memref<1x400x64xf32, #tpu.memory_space<vmem>>
    %dma_start3A_10 = tpu.memref_squeeze %dma_start3A_9 : memref<1x400x64xf32, #tpu.memory_space<vmem>> -> memref<400x64xf32, #tpu.memory_space<vmem>>
    %dma_start3A_11 = arith.constant 0 : i32
    %dma_start3A_12 = tpu.memref_slice %arg5[%dma_start3A, %dma_start3A_11] : memref<64x400xi32, #tpu.memory_space<vmem>> -> memref<1x400xi32, #tpu.memory_space<vmem>>
    %dma_start3A_13 = tpu.memref_squeeze %dma_start3A_12 : memref<1x400xi32, #tpu.memory_space<vmem>> -> memref<400xi32, #tpu.memory_space<vmem>>
    %dma_start3A_14 = arith.constant 0 : i32
    %dma_start3A_15 = arith.constant 0 : i32
    %dma_start3A_16 = tpu.memref_slice %arg3[%dma_start3A_14, %dma_start3A_15] : memref<1000000x64xf32, #tpu.memory_space<hbm>> -> memref<1000000x64xf32, #tpu.memory_space<hbm>>
    %dma_start3A_17 = tpu.memref_slice %arg7[%dma_start3A_6] : memref<4x!tpu.dma_semaphore, #tpu.memory_space<semaphore_mem>> -> memref<1x!tpu.dma_semaphore, #tpu.memory_space<semaphore_mem>>
    %dma_start3A_18 = tpu.memref_squeeze %dma_start3A_17 : memref<1x!tpu.dma_semaphore, #tpu.memory_space<semaphore_mem>> -> memref<!tpu.dma_semaphore, #tpu.memory_space<semaphore_mem>>
    tpu.enqueue_indirect_dma source(%dma_start3A_16 : memref<1000000x64xf32, #tpu.memory_space<hbm>>) target(%dma_start3A_10 : memref<400x64xf32, #tpu.memory_space<vmem>>) offsets(%dma_start3A_13 : memref<400xi32, #tpu.memory_space<vmem>>) semaphore(%dma_start3A_18 : memref<!tpu.dma_semaphore, #tpu.memory_space<semaphore_mem>>)
    %dma_start3A_19 = arith.constant 1 : i32
    %dma_start3A_20 = arith.constant 1 : i32
    %dma_start3A_21 = arith.constant 1 : i32
    %dma_start3A_22 = arith.constant 0 : i32
    %dma_start3A_23 = arith.constant 0 : i32
    %dma_start3A_24 = tpu.memref_slice %arg6[%dma_start3A_20, %dma_start3A_22, %dma_start3A_23] : memref<4x400x64xf32, #tpu.memory_space<vmem>> -> memref<1x400x64xf32, #tpu.memory_space<vmem>>
    %dma_start3A_25 = tpu.memref_squeeze %dma_start3A_24 : memref<1x400x64xf32, #tpu.memory_space<vmem>> -> memref<400x64xf32, #tpu.memory_space<vmem>>
    %dma_start3A_26 = arith.constant 0 : i32
    %dma_start3A_27 = tpu.memref_slice %arg5[%dma_start3A_19, %dma_start3A_26] : memref<64x400xi32, #tpu.memory_space<vmem>> -> memref<1x400xi32, #tpu.memory_space<vmem>>
    %dma_start3A_28 = tpu.memref_squeeze %dma_start3A_27 : memref<1x400xi32, #tpu.memory_space<vmem>> -> memref<400xi32, #tpu.memory_space<vmem>>
    %dma_start3A_29 = arith.constant 0 : i32
    %dma_start3A_30 = arith.constant 0 : i32
    %dma_start3A_31 = tpu.memref_slice %arg3[%dma_start3A_29, %dma_start3A_30] : memref<1000000x64xf32, #tpu.memory_space<hbm>> -> memref<1000000x64xf32, #tpu.memory_space<hbm>>
    %dma_start3A_32 = tpu.memref_slice %arg7[%dma_start3A_21] : memref<4x!tpu.dma_semaphore, #tpu.memory_space<semaphore_mem>> -> memref<1x!tpu.dma_semaphore, #tpu.memory_space<semaphore_mem>>
    %dma_start3A_33 = tpu.memref_squeeze %dma_start3A_32 : memref<1x!tpu.dma_semaphore, #tpu.memory_space<semaphore_mem>> -> memref<!tpu.dma_semaphore, #tpu.memory_space<semaphore_mem>>
    tpu.enqueue_indirect_dma source(%dma_start3A_31 : memref<1000000x64xf32, #tpu.memory_space<hbm>>) target(%dma_start3A_25 : memref<400x64xf32, #tpu.memory_space<vmem>>) offsets(%dma_start3A_28 : memref<400xi32, #tpu.memory_space<vmem>>) semaphore(%dma_start3A_33 : memref<!tpu.dma_semaphore, #tpu.memory_space<semaphore_mem>>)
    %dma_start3A_34 = arith.constant 2 : i32
    %dma_start3A_35 = arith.constant 2 : i32
    %dma_start3A_36 = arith.constant 2 : i32
    %dma_start3A_37 = arith.constant 0 : i32
    %dma_start3A_38 = arith.constant 0 : i32
    %dma_start3A_39 = tpu.memref_slice %arg6[%dma_start3A_35, %dma_start3A_37, %dma_start3A_38] : memref<4x400x64xf32, #tpu.memory_space<vmem>> -> memref<1x400x64xf32, #tpu.memory_space<vmem>>
    %dma_start3A_40 = tpu.memref_squeeze %dma_start3A_39 : memref<1x400x64xf32, #tpu.memory_space<vmem>> -> memref<400x64xf32, #tpu.memory_space<vmem>>
    %dma_start3A_41 = arith.constant 0 : i32
    %dma_start3A_42 = tpu.memref_slice %arg5[%dma_start3A_34, %dma_start3A_41] : memref<64x400xi32, #tpu.memory_space<vmem>> -> memref<1x400xi32, #tpu.memory_space<vmem>>
    %dma_start3A_43 = tpu.memref_squeeze %dma_start3A_42 : memref<1x400xi32, #tpu.memory_space<vmem>> -> memref<400xi32, #tpu.memory_space<vmem>>
    %dma_start3A_44 = arith.constant 0 : i32
    %dma_start3A_45 = arith.constant 0 : i32
    %dma_start3A_46 = tpu.memref_slice %arg3[%dma_start3A_44, %dma_start3A_45] : memref<1000000x64xf32, #tpu.memory_space<hbm>> -> memref<1000000x64xf32, #tpu.memory_space<hbm>>
    %dma_start3A_47 = tpu.memref_slice %arg7[%dma_start3A_36] : memref<4x!tpu.dma_semaphore, #tpu.memory_space<semaphore_mem>> -> memref<1x!tpu.dma_semaphore, #tpu.memory_space<semaphore_mem>>
    %dma_start3A_48 = tpu.memref_squeeze %dma_start3A_47 : memref<1x!tpu.dma_semaphore, #tpu.memory_space<semaphore_mem>> -> memref<!tpu.dma_semaphore, #tpu.memory_space<semaphore_mem>>
    tpu.enqueue_indirect_dma source(%dma_start3A_46 : memref<1000000x64xf32, #tpu.memory_space<hbm>>) target(%dma_start3A_40 : memref<400x64xf32, #tpu.memory_space<vmem>>) offsets(%dma_start3A_43 : memref<400xi32, #tpu.memory_space<vmem>>) semaphore(%dma_start3A_48 : memref<!tpu.dma_semaphore, #tpu.memory_space<semaphore_mem>>)
    %dma_wait3A = arith.constant 0 : i32
    %dma_wait3A_49 = arith.constant 0 : i32
    %dma_wait3A_50 = arith.constant 0 : i32
    %dma_wait3A_51 = arith.constant 0 : i32
    %dma_wait3A_52 = arith.constant 0 : i32
    %dma_wait3A_53 = tpu.memref_slice %arg6[%dma_wait3A_49, %dma_wait3A_51, %dma_wait3A_52] : memref<4x400x64xf32, #tpu.memory_space<vmem>> -> memref<1x400x64xf32, #tpu.memory_space<vmem>>
    %dma_wait3A_54 = tpu.memref_squeeze %dma_wait3A_53 : memref<1x400x64xf32, #tpu.memory_space<vmem>> -> memref<400x64xf32, #tpu.memory_space<vmem>>
    %dma_wait3A_55 = arith.constant 0 : i32
    %dma_wait3A_56 = tpu.memref_slice %arg5[%dma_wait3A, %dma_wait3A_55] : memref<64x400xi32, #tpu.memory_space<vmem>> -> memref<1x400xi32, #tpu.memory_space<vmem>>
    %dma_wait3A_57 = tpu.memref_squeeze %dma_wait3A_56 : memref<1x400xi32, #tpu.memory_space<vmem>> -> memref<400xi32, #tpu.memory_space<vmem>>
    %dma_wait3A_58 = arith.constant 0 : i32
    %dma_wait3A_59 = arith.constant 0 : i32
    %dma_wait3A_60 = tpu.memref_slice %arg3[%dma_wait3A_58, %dma_wait3A_59] : memref<1000000x64xf32, #tpu.memory_space<hbm>> -> memref<1000000x64xf32, #tpu.memory_space<hbm>>
    %dma_wait3A_61 = tpu.memref_slice %arg7[%dma_wait3A_50] : memref<4x!tpu.dma_semaphore, #tpu.memory_space<semaphore_mem>> -> memref<1x!tpu.dma_semaphore, #tpu.memory_space<semaphore_mem>>
    %dma_wait3A_62 = tpu.memref_squeeze %dma_wait3A_61 : memref<1x!tpu.dma_semaphore, #tpu.memory_space<semaphore_mem>> -> memref<!tpu.dma_semaphore, #tpu.memory_space<semaphore_mem>>
    tpu.wait_indirect_dma semaphore(%dma_wait3A_62 : memref<!tpu.dma_semaphore, #tpu.memory_space<semaphore_mem>>) src(%dma_wait3A_60 : memref<1000000x64xf32, #tpu.memory_space<hbm>>) dst(%dma_wait3A_54 : memref<400x64xf32, #tpu.memory_space<vmem>>)
    %add3A_63 = arith.constant 0 : i32
    %add3A_64 = arith.addi %mul3A_2, %add3A_63 : i32
    %dma_start3A_65 = arith.constant 0 : i32
    %dma_start3A_66 = arith.constant 0 : i32
    %dma_start3A_67 = arith.constant 0 : i32
    %dma_start3A_68 = arith.constant 0 : i32
    %dma_start3A_69 = tpu.memref_slice %arg6[%dma_start3A_65, %dma_start3A_67, %dma_start3A_68] : memref<4x400x64xf32, #tpu.memory_space<vmem>> -> memref<1x400x64xf32, #tpu.memory_space<vmem>>
    %dma_start3A_70 = tpu.memref_squeeze %dma_start3A_69 : memref<1x400x64xf32, #tpu.memory_space<vmem>> -> memref<400x64xf32, #tpu.memory_space<vmem>>
    %dma_start3A_71 = arith.constant 0 : i32
    %dma_start3A_72 = tpu.memref_slice %arg4[%add3A_64, %dma_start3A_71] : memref<819200x64xf32, #tpu.memory_space<hbm>> -> memref<400x64xf32, #tpu.memory_space<hbm>>
    %dma_start3A_73 = tpu.memref_slice %arg8[%dma_start3A_66] : memref<4x!tpu.dma_semaphore, #tpu.memory_space<semaphore_mem>> -> memref<1x!tpu.dma_semaphore, #tpu.memory_space<semaphore_mem>>
    %dma_start3A_74 = tpu.memref_squeeze %dma_start3A_73 : memref<1x!tpu.dma_semaphore, #tpu.memory_space<semaphore_mem>> -> memref<!tpu.dma_semaphore, #tpu.memory_space<semaphore_mem>>
    %dma_start3A_75 = arith.constant 0 : i32
    %dma_start3A_76 = tpu.memref_slice %arg4[%add3A_64, %dma_start3A_75] : memref<819200x64xf32, #tpu.memory_space<hbm>> -> memref<400x64xf32, #tpu.memory_space<hbm>>
    %dma_start3A_77 = arith.constant 0 : i32
    %dma_start3A_78 = arith.constant 0 : i32
    %dma_start3A_79 = tpu.memref_slice %arg6[%dma_start3A_65, %dma_start3A_77, %dma_start3A_78] : memref<4x400x64xf32, #tpu.memory_space<vmem>> -> memref<1x400x64xf32, #tpu.memory_space<vmem>>
    %dma_start3A_80 = tpu.memref_squeeze %dma_start3A_79 : memref<1x400x64xf32, #tpu.memory_space<vmem>> -> memref<400x64xf32, #tpu.memory_space<vmem>>
    tpu.enqueue_dma source(%dma_start3A_80 : memref<400x64xf32, #tpu.memory_space<vmem>>) target(%dma_start3A_76 : memref<400x64xf32, #tpu.memory_space<hbm>>) target_semaphore(%dma_start3A_74 : memref<!tpu.dma_semaphore, #tpu.memory_space<semaphore_mem>>)
    %dma_start3A_81 = arith.constant 3 : i32
    %dma_start3A_82 = arith.constant 3 : i32
    %dma_start3A_83 = arith.constant 3 : i32
    %dma_start3A_84 = arith.constant 0 : i32
    %dma_start3A_85 = arith.constant 0 : i32
    %dma_start3A_86 = tpu.memref_slice %arg6[%dma_start3A_82, %dma_start3A_84, %dma_start3A_85] : memref<4x400x64xf32, #tpu.memory_space<vmem>> -> memref<1x400x64xf32, #tpu.memory_space<vmem>>
    %dma_start3A_87 = tpu.memref_squeeze %dma_start3A_86 : memref<1x400x64xf32, #tpu.memory_space<vmem>> -> memref<400x64xf32, #tpu.memory_space<vmem>>
    %dma_start3A_88 = arith.constant 0 : i32
    %dma_start3A_89 = tpu.memref_slice %arg5[%dma_start3A_81, %dma_start3A_88] : memref<64x400xi32, #tpu.memory_space<vmem>> -> memref<1x400xi32, #tpu.memory_space<vmem>>
    %dma_start3A_90 = tpu.memref_squeeze %dma_start3A_89 : memref<1x400xi32, #tpu.memory_space<vmem>> -> memref<400xi32, #tpu.memory_space<vmem>>
    %dma_start3A_91 = arith.constant 0 : i32
    %dma_start3A_92 = arith.constant 0 : i32
    %dma_start3A_93 = tpu.memref_slice %arg3[%dma_start3A_91, %dma_start3A_92] : memref<1000000x64xf32, #tpu.memory_space<hbm>> -> memref<1000000x64xf32, #tpu.memory_space<hbm>>
    %dma_start3A_94 = tpu.memref_slice %arg7[%dma_start3A_83] : memref<4x!tpu.dma_semaphore, #tpu.memory_space<semaphore_mem>> -> memref<1x!tpu.dma_semaphore, #tpu.memory_space<semaphore_mem>>
    %dma_start3A_95 = tpu.memref_squeeze %dma_start3A_94 : memref<1x!tpu.dma_semaphore, #tpu.memory_space<semaphore_mem>> -> memref<!tpu.dma_semaphore, #tpu.memory_space<semaphore_mem>>
    tpu.enqueue_indirect_dma source(%dma_start3A_93 : memref<1000000x64xf32, #tpu.memory_space<hbm>>) target(%dma_start3A_87 : memref<400x64xf32, #tpu.memory_space<vmem>>) offsets(%dma_start3A_90 : memref<400xi32, #tpu.memory_space<vmem>>) semaphore(%dma_start3A_95 : memref<!tpu.dma_semaphore, #tpu.memory_space<semaphore_mem>>)
    %dma_wait3A_96 = arith.constant 1 : i32
    %dma_wait3A_97 = arith.constant 1 : i32
    %dma_wait3A_98 = arith.constant 1 : i32
    %dma_wait3A_99 = arith.constant 0 : i32
    %dma_wait3A_100 = arith.constant 0 : i32
    %dma_wait3A_101 = tpu.memref_slice %arg6[%dma_wait3A_97, %dma_wait3A_99, %dma_wait3A_100] : memref<4x400x64xf32, #tpu.memory_space<vmem>> -> memref<1x400x64xf32, #tpu.memory_space<vmem>>
    %dma_wait3A_102 = tpu.memref_squeeze %dma_wait3A_101 : memref<1x400x64xf32, #tpu.memory_space<vmem>> -> memref<400x64xf32, #tpu.memory_space<vmem>>
    %dma_wait3A_103 = arith.constant 0 : i32
    %dma_wait3A_104 = tpu.memref_slice %arg5[%dma_wait3A_96, %dma_wait3A_103] : memref<64x400xi32, #tpu.memory_space<vmem>> -> memref<1x400xi32, #tpu.memory_space<vmem>>
    %dma_wait3A_105 = tpu.memref_squeeze %dma_wait3A_104 : memref<1x400xi32, #tpu.memory_space<vmem>> -> memref<400xi32, #tpu.memory_space<vmem>>
    %dma_wait3A_106 = arith.constant 0 : i32
    %dma_wait3A_107 = arith.constant 0 : i32
    %dma_wait3A_108 = tpu.memref_slice %arg3[%dma_wait3A_106, %dma_wait3A_107] : memref<1000000x64xf32, #tpu.memory_space<hbm>> -> memref<1000000x64xf32, #tpu.memory_space<hbm>>
    %dma_wait3A_109 = tpu.memref_slice %arg7[%dma_wait3A_98] : memref<4x!tpu.dma_semaphore, #tpu.memory_space<semaphore_mem>> -> memref<1x!tpu.dma_semaphore, #tpu.memory_space<semaphore_mem>>
    %dma_wait3A_110 = tpu.memref_squeeze %dma_wait3A_109 : memref<1x!tpu.dma_semaphore, #tpu.memory_space<semaphore_mem>> -> memref<!tpu.dma_semaphore, #tpu.memory_space<semaphore_mem>>
    tpu.wait_indirect_dma semaphore(%dma_wait3A_110 : memref<!tpu.dma_semaphore, #tpu.memory_space<semaphore_mem>>) src(%dma_wait3A_108 : memref<1000000x64xf32, #tpu.memory_space<hbm>>) dst(%dma_wait3A_102 : memref<400x64xf32, #tpu.memory_space<vmem>>)
    %add3A_111 = arith.constant 400 : i32
    %add3A_112 = arith.addi %mul3A_2, %add3A_111 : i32
    %dma_start3A_113 = arith.constant 1 : i32
    %dma_start3A_114 = arith.constant 1 : i32
    %dma_start3A_115 = arith.constant 0 : i32
    %dma_start3A_116 = arith.constant 0 : i32
    %dma_start3A_117 = tpu.memref_slice %arg6[%dma_start3A_113, %dma_start3A_115, %dma_start3A_116] : memref<4x400x64xf32, #tpu.memory_space<vmem>> -> memref<1x400x64xf32, #tpu.memory_space<vmem>>
    %dma_start3A_118 = tpu.memref_squeeze %dma_start3A_117 : memref<1x400x64xf32, #tpu.memory_space<vmem>> -> memref<400x64xf32, #tpu.memory_space<vmem>>
    %dma_start3A_119 = arith.constant 0 : i32
    %dma_start3A_120 = tpu.memref_slice %arg4[%add3A_112, %dma_start3A_119] : memref<819200x64xf32, #tpu.memory_space<hbm>> -> memref<400x64xf32, #tpu.memory_space<hbm>>
    %dma_start3A_121 = tpu.memref_slice %arg8[%dma_start3A_114] : memref<4x!tpu.dma_semaphore, #tpu.memory_space<semaphore_mem>> -> memref<1x!tpu.dma_semaphore, #tpu.memory_space<semaphore_mem>>
    %dma_start3A_122 = tpu.memref_squeeze %dma_start3A_121 : memref<1x!tpu.dma_semaphore, #tpu.memory_space<semaphore_mem>> -> memref<!tpu.dma_semaphore, #tpu.memory_space<semaphore_mem>>
    %dma_start3A_123 = arith.constant 0 : i32
    %dma_start3A_124 = tpu.memref_slice %arg4[%add3A_112, %dma_start3A_123] : memref<819200x64xf32, #tpu.memory_space<hbm>> -> memref<400x64xf32, #tpu.memory_space<hbm>>
    %dma_start3A_125 = arith.constant 0 : i32
    %dma_start3A_126 = arith.constant 0 : i32
    %dma_start3A_127 = tpu.memref_slice %arg6[%dma_start3A_113, %dma_start3A_125, %dma_start3A_126] : memref<4x400x64xf32, #tpu.memory_space<vmem>> -> memref<1x400x64xf32, #tpu.memory_space<vmem>>
    %dma_start3A_128 = tpu.memref_squeeze %dma_start3A_127 : memref<1x400x64xf32, #tpu.memory_space<vmem>> -> memref<400x64xf32, #tpu.memory_space<vmem>>
    tpu.enqueue_dma source(%dma_start3A_128 : memref<400x64xf32, #tpu.memory_space<vmem>>) target(%dma_start3A_124 : memref<400x64xf32, #tpu.memory_space<hbm>>) target_semaphore(%dma_start3A_122 : memref<!tpu.dma_semaphore, #tpu.memory_space<semaphore_mem>>)
    %add3A_129 = arith.constant 0 : i32
    %add3A_130 = arith.addi %mul3A_2, %add3A_129 : i32
    %dma_wait3A_131 = arith.constant 0 : i32
    %dma_wait3A_132 = arith.constant 0 : i32
    %dma_wait3A_133 = arith.constant 0 : i32
    %dma_wait3A_134 = arith.constant 0 : i32
    %dma_wait3A_135 = tpu.memref_slice %arg6[%dma_wait3A_131, %dma_wait3A_133, %dma_wait3A_134] : memref<4x400x64xf32, #tpu.memory_space<vmem>> -> memref<1x400x64xf32, #tpu.memory_space<vmem>>
    %dma_wait3A_136 = tpu.memref_squeeze %dma_wait3A_135 : memref<1x400x64xf32, #tpu.memory_space<vmem>> -> memref<400x64xf32, #tpu.memory_space<vmem>>
    %dma_wait3A_137 = arith.constant 0 : i32
    %dma_wait3A_138 = tpu.memref_slice %arg4[%add3A_130, %dma_wait3A_137] : memref<819200x64xf32, #tpu.memory_space<hbm>> -> memref<400x64xf32, #tpu.memory_space<hbm>>
    %dma_wait3A_139 = tpu.memref_slice %arg8[%dma_wait3A_132] : memref<4x!tpu.dma_semaphore, #tpu.memory_space<semaphore_mem>> -> memref<1x!tpu.dma_semaphore, #tpu.memory_space<semaphore_mem>>
    %dma_wait3A_140 = tpu.memref_squeeze %dma_wait3A_139 : memref<1x!tpu.dma_semaphore, #tpu.memory_space<semaphore_mem>> -> memref<!tpu.dma_semaphore, #tpu.memory_space<semaphore_mem>>
    %dma_wait3A_141 = arith.constant 0 : i32
    %dma_wait3A_142 = tpu.memref_slice %arg4[%add3A_130, %dma_wait3A_141] : memref<819200x64xf32, #tpu.memory_space<hbm>> -> memref<400x64xf32, #tpu.memory_space<hbm>>
    %dma_wait3A_143 = arith.constant 0 : i32
    %dma_wait3A_144 = arith.constant 0 : i32
    %dma_wait3A_145 = tpu.memref_slice %arg6[%dma_wait3A_131, %dma_wait3A_143, %dma_wait3A_144] : memref<4x400x64xf32, #tpu.memory_space<vmem>> -> memref<1x400x64xf32, #tpu.memory_space<vmem>>
    %dma_wait3A_146 = tpu.memref_squeeze %dma_wait3A_145 : memref<1x400x64xf32, #tpu.memory_space<vmem>> -> memref<400x64xf32, #tpu.memory_space<vmem>>
    tpu.wait_dma2 semaphore(%dma_wait3A_140 : memref<!tpu.dma_semaphore, #tpu.memory_space<semaphore_mem>>) src(%dma_wait3A_146 : memref<400x64xf32, #tpu.memory_space<vmem>>) dst(%dma_wait3A_142 : memref<400x64xf32, #tpu.memory_space<hbm>>)
    %scan3A = arith.constant 0 : i32
    %scan3A_147 = arith.constant 0 : i32
    %scan3A_148 = arith.constant 15 : i32
    %scan3A_149 = arith.addi %scan3A_147, %scan3A_148 : i32
    %scan3A_150 = arith.constant 1 : i32
    scf.for %scan3A_272 = %scan3A_147 to %scan3A_149 step %scan3A_150  : i32 {
      %mul3A_273 = arith.constant 4 : i32
      %mul3A_274 = arith.muli %scan3A_272, %mul3A_273 : i32
      %add3A_275 = arith.constant 2 : i32
      %add3A_276 = arith.addi %add3A_275, %mul3A_274 : i32
      %add3A_277 = arith.constant 0 : i32
      %add3A_278 = arith.addi %add3A_276, %add3A_277 : i32
      %add3A_279 = arith.constant 2 : i32
      %add3A_280 = arith.addi %add3A_278, %add3A_279 : i32
      %dma_start3A_281 = arith.constant 0 : i32
      %dma_start3A_282 = arith.constant 0 : i32
      %dma_start3A_283 = arith.constant 0 : i32
      %dma_start3A_284 = arith.constant 0 : i32
      %dma_start3A_285 = tpu.memref_slice %arg6[%dma_start3A_281, %dma_start3A_283, %dma_start3A_284] : memref<4x400x64xf32, #tpu.memory_space<vmem>> -> memref<1x400x64xf32, #tpu.memory_space<vmem>>
      %dma_start3A_286 = tpu.memref_squeeze %dma_start3A_285 : memref<1x400x64xf32, #tpu.memory_space<vmem>> -> memref<400x64xf32, #tpu.memory_space<vmem>>
      %dma_start3A_287 = arith.constant 0 : i32
      %dma_start3A_288 = tpu.memref_slice %arg5[%add3A_280, %dma_start3A_287] : memref<64x400xi32, #tpu.memory_space<vmem>> -> memref<1x400xi32, #tpu.memory_space<vmem>>
      %dma_start3A_289 = tpu.memref_squeeze %dma_start3A_288 : memref<1x400xi32, #tpu.memory_space<vmem>> -> memref<400xi32, #tpu.memory_space<vmem>>
      %dma_start3A_290 = arith.constant 0 : i32
      %dma_start3A_291 = arith.constant 0 : i32
      %dma_start3A_292 = tpu.memref_slice %arg3[%dma_start3A_290, %dma_start3A_291] : memref<1000000x64xf32, #tpu.memory_space<hbm>> -> memref<1000000x64xf32, #tpu.memory_space<hbm>>
      %dma_start3A_293 = tpu.memref_slice %arg7[%dma_start3A_282] : memref<4x!tpu.dma_semaphore, #tpu.memory_space<semaphore_mem>> -> memref<1x!tpu.dma_semaphore, #tpu.memory_space<semaphore_mem>>
      %dma_start3A_294 = tpu.memref_squeeze %dma_start3A_293 : memref<1x!tpu.dma_semaphore, #tpu.memory_space<semaphore_mem>> -> memref<!tpu.dma_semaphore, #tpu.memory_space<semaphore_mem>>
      tpu.enqueue_indirect_dma source(%dma_start3A_292 : memref<1000000x64xf32, #tpu.memory_space<hbm>>) target(%dma_start3A_286 : memref<400x64xf32, #tpu.memory_space<vmem>>) offsets(%dma_start3A_289 : memref<400xi32, #tpu.memory_space<vmem>>) semaphore(%dma_start3A_294 : memref<!tpu.dma_semaphore, #tpu.memory_space<semaphore_mem>>)
      %dma_wait3A_295 = arith.constant 2 : i32
      %dma_wait3A_296 = arith.constant 2 : i32
      %dma_wait3A_297 = arith.constant 0 : i32
      %dma_wait3A_298 = arith.constant 0 : i32
      %dma_wait3A_299 = tpu.memref_slice %arg6[%dma_wait3A_295, %dma_wait3A_297, %dma_wait3A_298] : memref<4x400x64xf32, #tpu.memory_space<vmem>> -> memref<1x400x64xf32, #tpu.memory_space<vmem>>
      %dma_wait3A_300 = tpu.memref_squeeze %dma_wait3A_299 : memref<1x400x64xf32, #tpu.memory_space<vmem>> -> memref<400x64xf32, #tpu.memory_space<vmem>>
      %dma_wait3A_301 = arith.constant 0 : i32
      %dma_wait3A_302 = tpu.memref_slice %arg5[%add3A_278, %dma_wait3A_301] : memref<64x400xi32, #tpu.memory_space<vmem>> -> memref<1x400xi32, #tpu.memory_space<vmem>>
      %dma_wait3A_303 = tpu.memref_squeeze %dma_wait3A_302 : memref<1x400xi32, #tpu.memory_space<vmem>> -> memref<400xi32, #tpu.memory_space<vmem>>
      %dma_wait3A_304 = arith.constant 0 : i32
      %dma_wait3A_305 = arith.constant 0 : i32
      %dma_wait3A_306 = tpu.memref_slice %arg3[%dma_wait3A_304, %dma_wait3A_305] : memref<1000000x64xf32, #tpu.memory_space<hbm>> -> memref<1000000x64xf32, #tpu.memory_space<hbm>>
      %dma_wait3A_307 = tpu.memref_slice %arg7[%dma_wait3A_296] : memref<4x!tpu.dma_semaphore, #tpu.memory_space<semaphore_mem>> -> memref<1x!tpu.dma_semaphore, #tpu.memory_space<semaphore_mem>>
      %dma_wait3A_308 = tpu.memref_squeeze %dma_wait3A_307 : memref<1x!tpu.dma_semaphore, #tpu.memory_space<semaphore_mem>> -> memref<!tpu.dma_semaphore, #tpu.memory_space<semaphore_mem>>
      tpu.wait_indirect_dma semaphore(%dma_wait3A_308 : memref<!tpu.dma_semaphore, #tpu.memory_space<semaphore_mem>>) src(%dma_wait3A_306 : memref<1000000x64xf32, #tpu.memory_space<hbm>>) dst(%dma_wait3A_300 : memref<400x64xf32, #tpu.memory_space<vmem>>)
      %mul3A_309 = arith.constant 400 : i32
      %mul3A_310 = arith.muli %add3A_278, %mul3A_309 : i32
      %add3A_311 = arith.addi %mul3A_2, %mul3A_310 : i32
      %dma_start3A_312 = arith.constant 2 : i32
      %dma_start3A_313 = arith.constant 2 : i32
      %dma_start3A_314 = arith.constant 0 : i32
      %dma_start3A_315 = arith.constant 0 : i32
      %dma_start3A_316 = tpu.memref_slice %arg6[%dma_start3A_312, %dma_start3A_314, %dma_start3A_315] : memref<4x400x64xf32, #tpu.memory_space<vmem>> -> memref<1x400x64xf32, #tpu.memory_space<vmem>>
      %dma_start3A_317 = tpu.memref_squeeze %dma_start3A_316 : memref<1x400x64xf32, #tpu.memory_space<vmem>> -> memref<400x64xf32, #tpu.memory_space<vmem>>
      %dma_start3A_318 = arith.constant 0 : i32
      %dma_start3A_319 = tpu.memref_slice %arg4[%add3A_311, %dma_start3A_318] : memref<819200x64xf32, #tpu.memory_space<hbm>> -> memref<400x64xf32, #tpu.memory_space<hbm>>
      %dma_start3A_320 = tpu.memref_slice %arg8[%dma_start3A_313] : memref<4x!tpu.dma_semaphore, #tpu.memory_space<semaphore_mem>> -> memref<1x!tpu.dma_semaphore, #tpu.memory_space<semaphore_mem>>
      %dma_start3A_321 = tpu.memref_squeeze %dma_start3A_320 : memref<1x!tpu.dma_semaphore, #tpu.memory_space<semaphore_mem>> -> memref<!tpu.dma_semaphore, #tpu.memory_space<semaphore_mem>>
      %dma_start3A_322 = arith.constant 0 : i32
      %dma_start3A_323 = tpu.memref_slice %arg4[%add3A_311, %dma_start3A_322] : memref<819200x64xf32, #tpu.memory_space<hbm>> -> memref<400x64xf32, #tpu.memory_space<hbm>>
      %dma_start3A_324 = arith.constant 0 : i32
      %dma_start3A_325 = arith.constant 0 : i32
      %dma_start3A_326 = tpu.memref_slice %arg6[%dma_start3A_312, %dma_start3A_324, %dma_start3A_325] : memref<4x400x64xf32, #tpu.memory_space<vmem>> -> memref<1x400x64xf32, #tpu.memory_space<vmem>>
      %dma_start3A_327 = tpu.memref_squeeze %dma_start3A_326 : memref<1x400x64xf32, #tpu.memory_space<vmem>> -> memref<400x64xf32, #tpu.memory_space<vmem>>
      tpu.enqueue_dma source(%dma_start3A_327 : memref<400x64xf32, #tpu.memory_space<vmem>>) target(%dma_start3A_323 : memref<400x64xf32, #tpu.memory_space<hbm>>) target_semaphore(%dma_start3A_321 : memref<!tpu.dma_semaphore, #tpu.memory_space<semaphore_mem>>)
      %sub3A = arith.constant 1 : i32
      %sub3A_328 = arith.subi %add3A_278, %sub3A : i32
      %mul3A_329 = arith.constant 400 : i32
      %mul3A_330 = arith.muli %sub3A_328, %mul3A_329 : i32
      %add3A_331 = arith.addi %mul3A_2, %mul3A_330 : i32
      %dma_wait3A_332 = arith.constant 1 : i32
      %dma_wait3A_333 = arith.constant 1 : i32
      %dma_wait3A_334 = arith.constant 0 : i32
      %dma_wait3A_335 = arith.constant 0 : i32
      %dma_wait3A_336 = tpu.memref_slice %arg6[%dma_wait3A_332, %dma_wait3A_334, %dma_wait3A_335] : memref<4x400x64xf32, #tpu.memory_space<vmem>> -> memref<1x400x64xf32, #tpu.memory_space<vmem>>
      %dma_wait3A_337 = tpu.memref_squeeze %dma_wait3A_336 : memref<1x400x64xf32, #tpu.memory_space<vmem>> -> memref<400x64xf32, #tpu.memory_space<vmem>>
      %dma_wait3A_338 = arith.constant 0 : i32
      %dma_wait3A_339 = tpu.memref_slice %arg4[%add3A_331, %dma_wait3A_338] : memref<819200x64xf32, #tpu.memory_space<hbm>> -> memref<400x64xf32, #tpu.memory_space<hbm>>
      %dma_wait3A_340 = tpu.memref_slice %arg8[%dma_wait3A_333] : memref<4x!tpu.dma_semaphore, #tpu.memory_space<semaphore_mem>> -> memref<1x!tpu.dma_semaphore, #tpu.memory_space<semaphore_mem>>
      %dma_wait3A_341 = tpu.memref_squeeze %dma_wait3A_340 : memref<1x!tpu.dma_semaphore, #tpu.memory_space<semaphore_mem>> -> memref<!tpu.dma_semaphore, #tpu.memory_space<semaphore_mem>>
      %dma_wait3A_342 = arith.constant 0 : i32
      %dma_wait3A_343 = tpu.memref_slice %arg4[%add3A_331, %dma_wait3A_342] : memref<819200x64xf32, #tpu.memory_space<hbm>> -> memref<400x64xf32, #tpu.memory_space<hbm>>
      %dma_wait3A_344 = arith.constant 0 : i32
      %dma_wait3A_345 = arith.constant 0 : i32
      %dma_wait3A_346 = tpu.memref_slice %arg6[%dma_wait3A_332, %dma_wait3A_344, %dma_wait3A_345] : memref<4x400x64xf32, #tpu.memory_space<vmem>> -> memref<1x400x64xf32, #tpu.memory_space<vmem>>
      %dma_wait3A_347 = tpu.memref_squeeze %dma_wait3A_346 : memref<1x400x64xf32, #tpu.memory_space<vmem>> -> memref<400x64xf32, #tpu.memory_space<vmem>>
      tpu.wait_dma2 semaphore(%dma_wait3A_341 : memref<!tpu.dma_semaphore, #tpu.memory_space<semaphore_mem>>) src(%dma_wait3A_347 : memref<400x64xf32, #tpu.memory_space<vmem>>) dst(%dma_wait3A_343 : memref<400x64xf32, #tpu.memory_space<hbm>>)
      %mul3A_348 = arith.constant 4 : i32
      %mul3A_349 = arith.muli %scan3A_272, %mul3A_348 : i32
      %add3A_350 = arith.constant 2 : i32
      %add3A_351 = arith.addi %add3A_350, %mul3A_349 : i32
      %add3A_352 = arith.constant 1 : i32
      %add3A_353 = arith.addi %add3A_351, %add3A_352 : i32
      %add3A_354 = arith.constant 2 : i32
      %add3A_355 = arith.addi %add3A_353, %add3A_354 : i32
      %dma_start3A_356 = arith.constant 1 : i32
      %dma_start3A_357 = arith.constant 1 : i32
      %dma_start3A_358 = arith.constant 0 : i32
      %dma_start3A_359 = arith.constant 0 : i32
      %dma_start3A_360 = tpu.memref_slice %arg6[%dma_start3A_356, %dma_start3A_358, %dma_start3A_359] : memref<4x400x64xf32, #tpu.memory_space<vmem>> -> memref<1x400x64xf32, #tpu.memory_space<vmem>>
      %dma_start3A_361 = tpu.memref_squeeze %dma_start3A_360 : memref<1x400x64xf32, #tpu.memory_space<vmem>> -> memref<400x64xf32, #tpu.memory_space<vmem>>
      %dma_start3A_362 = arith.constant 0 : i32
      %dma_start3A_363 = tpu.memref_slice %arg5[%add3A_355, %dma_start3A_362] : memref<64x400xi32, #tpu.memory_space<vmem>> -> memref<1x400xi32, #tpu.memory_space<vmem>>
      %dma_start3A_364 = tpu.memref_squeeze %dma_start3A_363 : memref<1x400xi32, #tpu.memory_space<vmem>> -> memref<400xi32, #tpu.memory_space<vmem>>
      %dma_start3A_365 = arith.constant 0 : i32
      %dma_start3A_366 = arith.constant 0 : i32
      %dma_start3A_367 = tpu.memref_slice %arg3[%dma_start3A_365, %dma_start3A_366] : memref<1000000x64xf32, #tpu.memory_space<hbm>> -> memref<1000000x64xf32, #tpu.memory_space<hbm>>
      %dma_start3A_368 = tpu.memref_slice %arg7[%dma_start3A_357] : memref<4x!tpu.dma_semaphore, #tpu.memory_space<semaphore_mem>> -> memref<1x!tpu.dma_semaphore, #tpu.memory_space<semaphore_mem>>
      %dma_start3A_369 = tpu.memref_squeeze %dma_start3A_368 : memref<1x!tpu.dma_semaphore, #tpu.memory_space<semaphore_mem>> -> memref<!tpu.dma_semaphore, #tpu.memory_space<semaphore_mem>>
      tpu.enqueue_indirect_dma source(%dma_start3A_367 : memref<1000000x64xf32, #tpu.memory_space<hbm>>) target(%dma_start3A_361 : memref<400x64xf32, #tpu.memory_space<vmem>>) offsets(%dma_start3A_364 : memref<400xi32, #tpu.memory_space<vmem>>) semaphore(%dma_start3A_369 : memref<!tpu.dma_semaphore, #tpu.memory_space<semaphore_mem>>)
      %dma_wait3A_370 = arith.constant 3 : i32
      %dma_wait3A_371 = arith.constant 3 : i32
      %dma_wait3A_372 = arith.constant 0 : i32
      %dma_wait3A_373 = arith.constant 0 : i32
      %dma_wait3A_374 = tpu.memref_slice %arg6[%dma_wait3A_370, %dma_wait3A_372, %dma_wait3A_373] : memref<4x400x64xf32, #tpu.memory_space<vmem>> -> memref<1x400x64xf32, #tpu.memory_space<vmem>>
      %dma_wait3A_375 = tpu.memref_squeeze %dma_wait3A_374 : memref<1x400x64xf32, #tpu.memory_space<vmem>> -> memref<400x64xf32, #tpu.memory_space<vmem>>
      %dma_wait3A_376 = arith.constant 0 : i32
      %dma_wait3A_377 = tpu.memref_slice %arg5[%add3A_353, %dma_wait3A_376] : memref<64x400xi32, #tpu.memory_space<vmem>> -> memref<1x400xi32, #tpu.memory_space<vmem>>
      %dma_wait3A_378 = tpu.memref_squeeze %dma_wait3A_377 : memref<1x400xi32, #tpu.memory_space<vmem>> -> memref<400xi32, #tpu.memory_space<vmem>>
      %dma_wait3A_379 = arith.constant 0 : i32
      %dma_wait3A_380 = arith.constant 0 : i32
      %dma_wait3A_381 = tpu.memref_slice %arg3[%dma_wait3A_379, %dma_wait3A_380] : memref<1000000x64xf32, #tpu.memory_space<hbm>> -> memref<1000000x64xf32, #tpu.memory_space<hbm>>
      %dma_wait3A_382 = tpu.memref_slice %arg7[%dma_wait3A_371] : memref<4x!tpu.dma_semaphore, #tpu.memory_space<semaphore_mem>> -> memref<1x!tpu.dma_semaphore, #tpu.memory_space<semaphore_mem>>
      %dma_wait3A_383 = tpu.memref_squeeze %dma_wait3A_382 : memref<1x!tpu.dma_semaphore, #tpu.memory_space<semaphore_mem>> -> memref<!tpu.dma_semaphore, #tpu.memory_space<semaphore_mem>>
      tpu.wait_indirect_dma semaphore(%dma_wait3A_383 : memref<!tpu.dma_semaphore, #tpu.memory_space<semaphore_mem>>) src(%dma_wait3A_381 : memref<1000000x64xf32, #tpu.memory_space<hbm>>) dst(%dma_wait3A_375 : memref<400x64xf32, #tpu.memory_space<vmem>>)
      %mul3A_384 = arith.constant 400 : i32
      %mul3A_385 = arith.muli %add3A_353, %mul3A_384 : i32
      %add3A_386 = arith.addi %mul3A_2, %mul3A_385 : i32
      %dma_start3A_387 = arith.constant 3 : i32
      %dma_start3A_388 = arith.constant 3 : i32
      %dma_start3A_389 = arith.constant 0 : i32
      %dma_start3A_390 = arith.constant 0 : i32
      %dma_start3A_391 = tpu.memref_slice %arg6[%dma_start3A_387, %dma_start3A_389, %dma_start3A_390] : memref<4x400x64xf32, #tpu.memory_space<vmem>> -> memref<1x400x64xf32, #tpu.memory_space<vmem>>
      %dma_start3A_392 = tpu.memref_squeeze %dma_start3A_391 : memref<1x400x64xf32, #tpu.memory_space<vmem>> -> memref<400x64xf32, #tpu.memory_space<vmem>>
      %dma_start3A_393 = arith.constant 0 : i32
      %dma_start3A_394 = tpu.memref_slice %arg4[%add3A_386, %dma_start3A_393] : memref<819200x64xf32, #tpu.memory_space<hbm>> -> memref<400x64xf32, #tpu.memory_space<hbm>>
      %dma_start3A_395 = tpu.memref_slice %arg8[%dma_start3A_388] : memref<4x!tpu.dma_semaphore, #tpu.memory_space<semaphore_mem>> -> memref<1x!tpu.dma_semaphore, #tpu.memory_space<semaphore_mem>>
      %dma_start3A_396 = tpu.memref_squeeze %dma_start3A_395 : memref<1x!tpu.dma_semaphore, #tpu.memory_space<semaphore_mem>> -> memref<!tpu.dma_semaphore, #tpu.memory_space<semaphore_mem>>
      %dma_start3A_397 = arith.constant 0 : i32
      %dma_start3A_398 = tpu.memref_slice %arg4[%add3A_386, %dma_start3A_397] : memref<819200x64xf32, #tpu.memory_space<hbm>> -> memref<400x64xf32, #tpu.memory_space<hbm>>
      %dma_start3A_399 = arith.constant 0 : i32
      %dma_start3A_400 = arith.constant 0 : i32
      %dma_start3A_401 = tpu.memref_slice %arg6[%dma_start3A_387, %dma_start3A_399, %dma_start3A_400] : memref<4x400x64xf32, #tpu.memory_space<vmem>> -> memref<1x400x64xf32, #tpu.memory_space<vmem>>
      %dma_start3A_402 = tpu.memref_squeeze %dma_start3A_401 : memref<1x400x64xf32, #tpu.memory_space<vmem>> -> memref<400x64xf32, #tpu.memory_space<vmem>>
      tpu.enqueue_dma source(%dma_start3A_402 : memref<400x64xf32, #tpu.memory_space<vmem>>) target(%dma_start3A_398 : memref<400x64xf32, #tpu.memory_space<hbm>>) target_semaphore(%dma_start3A_396 : memref<!tpu.dma_semaphore, #tpu.memory_space<semaphore_mem>>)
      %sub3A_403 = arith.constant 1 : i32
      %sub3A_404 = arith.subi %add3A_353, %sub3A_403 : i32
      %mul3A_405 = arith.constant 400 : i32
      %mul3A_406 = arith.muli %sub3A_404, %mul3A_405 : i32
      %add3A_407 = arith.addi %mul3A_2, %mul3A_406 : i32
      %dma_wait3A_408 = arith.constant 2 : i32
      %dma_wait3A_409 = arith.constant 2 : i32
      %dma_wait3A_410 = arith.constant 0 : i32
      %dma_wait3A_411 = arith.constant 0 : i32
      %dma_wait3A_412 = tpu.memref_slice %arg6[%dma_wait3A_408, %dma_wait3A_410, %dma_wait3A_411] : memref<4x400x64xf32, #tpu.memory_space<vmem>> -> memref<1x400x64xf32, #tpu.memory_space<vmem>>
      %dma_wait3A_413 = tpu.memref_squeeze %dma_wait3A_412 : memref<1x400x64xf32, #tpu.memory_space<vmem>> -> memref<400x64xf32, #tpu.memory_space<vmem>>
      %dma_wait3A_414 = arith.constant 0 : i32
      %dma_wait3A_415 = tpu.memref_slice %arg4[%add3A_407, %dma_wait3A_414] : memref<819200x64xf32, #tpu.memory_space<hbm>> -> memref<400x64xf32, #tpu.memory_space<hbm>>
      %dma_wait3A_416 = tpu.memref_slice %arg8[%dma_wait3A_409] : memref<4x!tpu.dma_semaphore, #tpu.memory_space<semaphore_mem>> -> memref<1x!tpu.dma_semaphore, #tpu.memory_space<semaphore_mem>>
      %dma_wait3A_417 = tpu.memref_squeeze %dma_wait3A_416 : memref<1x!tpu.dma_semaphore, #tpu.memory_space<semaphore_mem>> -> memref<!tpu.dma_semaphore, #tpu.memory_space<semaphore_mem>>
      %dma_wait3A_418 = arith.constant 0 : i32
      %dma_wait3A_419 = tpu.memref_slice %arg4[%add3A_407, %dma_wait3A_418] : memref<819200x64xf32, #tpu.memory_space<hbm>> -> memref<400x64xf32, #tpu.memory_space<hbm>>
      %dma_wait3A_420 = arith.constant 0 : i32
      %dma_wait3A_421 = arith.constant 0 : i32
      %dma_wait3A_422 = tpu.memref_slice %arg6[%dma_wait3A_408, %dma_wait3A_420, %dma_wait3A_421] : memref<4x400x64xf32, #tpu.memory_space<vmem>> -> memref<1x400x64xf32, #tpu.memory_space<vmem>>
      %dma_wait3A_423 = tpu.memref_squeeze %dma_wait3A_422 : memref<1x400x64xf32, #tpu.memory_space<vmem>> -> memref<400x64xf32, #tpu.memory_space<vmem>>
      tpu.wait_dma2 semaphore(%dma_wait3A_417 : memref<!tpu.dma_semaphore, #tpu.memory_space<semaphore_mem>>) src(%dma_wait3A_423 : memref<400x64xf32, #tpu.memory_space<vmem>>) dst(%dma_wait3A_419 : memref<400x64xf32, #tpu.memory_space<hbm>>)
      %mul3A_424 = arith.constant 4 : i32
      %mul3A_425 = arith.muli %scan3A_272, %mul3A_424 : i32
      %add3A_426 = arith.constant 2 : i32
      %add3A_427 = arith.addi %add3A_426, %mul3A_425 : i32
      %add3A_428 = arith.constant 2 : i32
      %add3A_429 = arith.addi %add3A_427, %add3A_428 : i32
      %add3A_430 = arith.constant 2 : i32
      %add3A_431 = arith.addi %add3A_429, %add3A_430 : i32
      %dma_start3A_432 = arith.constant 2 : i32
      %dma_start3A_433 = arith.constant 2 : i32
      %dma_start3A_434 = arith.constant 0 : i32
      %dma_start3A_435 = arith.constant 0 : i32
      %dma_start3A_436 = tpu.memref_slice %arg6[%dma_start3A_432, %dma_start3A_434, %dma_start3A_435] : memref<4x400x64xf32, #tpu.memory_space<vmem>> -> memref<1x400x64xf32, #tpu.memory_space<vmem>>
      %dma_start3A_437 = tpu.memref_squeeze %dma_start3A_436 : memref<1x400x64xf32, #tpu.memory_space<vmem>> -> memref<400x64xf32, #tpu.memory_space<vmem>>
      %dma_start3A_438 = arith.constant 0 : i32
      %dma_start3A_439 = tpu.memref_slice %arg5[%add3A_431, %dma_start3A_438] : memref<64x400xi32, #tpu.memory_space<vmem>> -> memref<1x400xi32, #tpu.memory_space<vmem>>
      %dma_start3A_440 = tpu.memref_squeeze %dma_start3A_439 : memref<1x400xi32, #tpu.memory_space<vmem>> -> memref<400xi32, #tpu.memory_space<vmem>>
      %dma_start3A_441 = arith.constant 0 : i32
      %dma_start3A_442 = arith.constant 0 : i32
      %dma_start3A_443 = tpu.memref_slice %arg3[%dma_start3A_441, %dma_start3A_442] : memref<1000000x64xf32, #tpu.memory_space<hbm>> -> memref<1000000x64xf32, #tpu.memory_space<hbm>>
      %dma_start3A_444 = tpu.memref_slice %arg7[%dma_start3A_433] : memref<4x!tpu.dma_semaphore, #tpu.memory_space<semaphore_mem>> -> memref<1x!tpu.dma_semaphore, #tpu.memory_space<semaphore_mem>>
      %dma_start3A_445 = tpu.memref_squeeze %dma_start3A_444 : memref<1x!tpu.dma_semaphore, #tpu.memory_space<semaphore_mem>> -> memref<!tpu.dma_semaphore, #tpu.memory_space<semaphore_mem>>
      tpu.enqueue_indirect_dma source(%dma_start3A_443 : memref<1000000x64xf32, #tpu.memory_space<hbm>>) target(%dma_start3A_437 : memref<400x64xf32, #tpu.memory_space<vmem>>) offsets(%dma_start3A_440 : memref<400xi32, #tpu.memory_space<vmem>>) semaphore(%dma_start3A_445 : memref<!tpu.dma_semaphore, #tpu.memory_space<semaphore_mem>>)
      %dma_wait3A_446 = arith.constant 0 : i32
      %dma_wait3A_447 = arith.constant 0 : i32
      %dma_wait3A_448 = arith.constant 0 : i32
      %dma_wait3A_449 = arith.constant 0 : i32
      %dma_wait3A_450 = tpu.memref_slice %arg6[%dma_wait3A_446, %dma_wait3A_448, %dma_wait3A_449] : memref<4x400x64xf32, #tpu.memory_space<vmem>> -> memref<1x400x64xf32, #tpu.memory_space<vmem>>
      %dma_wait3A_451 = tpu.memref_squeeze %dma_wait3A_450 : memref<1x400x64xf32, #tpu.memory_space<vmem>> -> memref<400x64xf32, #tpu.memory_space<vmem>>
      %dma_wait3A_452 = arith.constant 0 : i32
      %dma_wait3A_453 = tpu.memref_slice %arg5[%add3A_429, %dma_wait3A_452] : memref<64x400xi32, #tpu.memory_space<vmem>> -> memref<1x400xi32, #tpu.memory_space<vmem>>
      %dma_wait3A_454 = tpu.memref_squeeze %dma_wait3A_453 : memref<1x400xi32, #tpu.memory_space<vmem>> -> memref<400xi32, #tpu.memory_space<vmem>>
      %dma_wait3A_455 = arith.constant 0 : i32
      %dma_wait3A_456 = arith.constant 0 : i32
      %dma_wait3A_457 = tpu.memref_slice %arg3[%dma_wait3A_455, %dma_wait3A_456] : memref<1000000x64xf32, #tpu.memory_space<hbm>> -> memref<1000000x64xf32, #tpu.memory_space<hbm>>
      %dma_wait3A_458 = tpu.memref_slice %arg7[%dma_wait3A_447] : memref<4x!tpu.dma_semaphore, #tpu.memory_space<semaphore_mem>> -> memref<1x!tpu.dma_semaphore, #tpu.memory_space<semaphore_mem>>
      %dma_wait3A_459 = tpu.memref_squeeze %dma_wait3A_458 : memref<1x!tpu.dma_semaphore, #tpu.memory_space<semaphore_mem>> -> memref<!tpu.dma_semaphore, #tpu.memory_space<semaphore_mem>>
      tpu.wait_indirect_dma semaphore(%dma_wait3A_459 : memref<!tpu.dma_semaphore, #tpu.memory_space<semaphore_mem>>) src(%dma_wait3A_457 : memref<1000000x64xf32, #tpu.memory_space<hbm>>) dst(%dma_wait3A_451 : memref<400x64xf32, #tpu.memory_space<vmem>>)
      %mul3A_460 = arith.constant 400 : i32
      %mul3A_461 = arith.muli %add3A_429, %mul3A_460 : i32
      %add3A_462 = arith.addi %mul3A_2, %mul3A_461 : i32
      %dma_start3A_463 = arith.constant 0 : i32
      %dma_start3A_464 = arith.constant 0 : i32
      %dma_start3A_465 = arith.constant 0 : i32
      %dma_start3A_466 = arith.constant 0 : i32
      %dma_start3A_467 = tpu.memref_slice %arg6[%dma_start3A_463, %dma_start3A_465, %dma_start3A_466] : memref<4x400x64xf32, #tpu.memory_space<vmem>> -> memref<1x400x64xf32, #tpu.memory_space<vmem>>
      %dma_start3A_468 = tpu.memref_squeeze %dma_start3A_467 : memref<1x400x64xf32, #tpu.memory_space<vmem>> -> memref<400x64xf32, #tpu.memory_space<vmem>>
      %dma_start3A_469 = arith.constant 0 : i32
      %dma_start3A_470 = tpu.memref_slice %arg4[%add3A_462, %dma_start3A_469] : memref<819200x64xf32, #tpu.memory_space<hbm>> -> memref<400x64xf32, #tpu.memory_space<hbm>>
      %dma_start3A_471 = tpu.memref_slice %arg8[%dma_start3A_464] : memref<4x!tpu.dma_semaphore, #tpu.memory_space<semaphore_mem>> -> memref<1x!tpu.dma_semaphore, #tpu.memory_space<semaphore_mem>>
      %dma_start3A_472 = tpu.memref_squeeze %dma_start3A_471 : memref<1x!tpu.dma_semaphore, #tpu.memory_space<semaphore_mem>> -> memref<!tpu.dma_semaphore, #tpu.memory_space<semaphore_mem>>
      %dma_start3A_473 = arith.constant 0 : i32
      %dma_start3A_474 = tpu.memref_slice %arg4[%add3A_462, %dma_start3A_473] : memref<819200x64xf32, #tpu.memory_space<hbm>> -> memref<400x64xf32, #tpu.memory_space<hbm>>
      %dma_start3A_475 = arith.constant 0 : i32
      %dma_start3A_476 = arith.constant 0 : i32
      %dma_start3A_477 = tpu.memref_slice %arg6[%dma_start3A_463, %dma_start3A_475, %dma_start3A_476] : memref<4x400x64xf32, #tpu.memory_space<vmem>> -> memref<1x400x64xf32, #tpu.memory_space<vmem>>
      %dma_start3A_478 = tpu.memref_squeeze %dma_start3A_477 : memref<1x400x64xf32, #tpu.memory_space<vmem>> -> memref<400x64xf32, #tpu.memory_space<vmem>>
      tpu.enqueue_dma source(%dma_start3A_478 : memref<400x64xf32, #tpu.memory_space<vmem>>) target(%dma_start3A_474 : memref<400x64xf32, #tpu.memory_space<hbm>>) target_semaphore(%dma_start3A_472 : memref<!tpu.dma_semaphore, #tpu.memory_space<semaphore_mem>>)
      %sub3A_479 = arith.constant 1 : i32
      %sub3A_480 = arith.subi %add3A_429, %sub3A_479 : i32
      %mul3A_481 = arith.constant 400 : i32
      %mul3A_482 = arith.muli %sub3A_480, %mul3A_481 : i32
      %add3A_483 = arith.addi %mul3A_2, %mul3A_482 : i32
      %dma_wait3A_484 = arith.constant 3 : i32
      %dma_wait3A_485 = arith.constant 3 : i32
      %dma_wait3A_486 = arith.constant 0 : i32
      %dma_wait3A_487 = arith.constant 0 : i32
      %dma_wait3A_488 = tpu.memref_slice %arg6[%dma_wait3A_484, %dma_wait3A_486, %dma_wait3A_487] : memref<4x400x64xf32, #tpu.memory_space<vmem>> -> memref<1x400x64xf32, #tpu.memory_space<vmem>>
      %dma_wait3A_489 = tpu.memref_squeeze %dma_wait3A_488 : memref<1x400x64xf32, #tpu.memory_space<vmem>> -> memref<400x64xf32, #tpu.memory_space<vmem>>
      %dma_wait3A_490 = arith.constant 0 : i32
      %dma_wait3A_491 = tpu.memref_slice %arg4[%add3A_483, %dma_wait3A_490] : memref<819200x64xf32, #tpu.memory_space<hbm>> -> memref<400x64xf32, #tpu.memory_space<hbm>>
      %dma_wait3A_492 = tpu.memref_slice %arg8[%dma_wait3A_485] : memref<4x!tpu.dma_semaphore, #tpu.memory_space<semaphore_mem>> -> memref<1x!tpu.dma_semaphore, #tpu.memory_space<semaphore_mem>>
      %dma_wait3A_493 = tpu.memref_squeeze %dma_wait3A_492 : memref<1x!tpu.dma_semaphore, #tpu.memory_space<semaphore_mem>> -> memref<!tpu.dma_semaphore, #tpu.memory_space<semaphore_mem>>
      %dma_wait3A_494 = arith.constant 0 : i32
      %dma_wait3A_495 = tpu.memref_slice %arg4[%add3A_483, %dma_wait3A_494] : memref<819200x64xf32, #tpu.memory_space<hbm>> -> memref<400x64xf32, #tpu.memory_space<hbm>>
      %dma_wait3A_496 = arith.constant 0 : i32
      %dma_wait3A_497 = arith.constant 0 : i32
      %dma_wait3A_498 = tpu.memref_slice %arg6[%dma_wait3A_484, %dma_wait3A_496, %dma_wait3A_497] : memref<4x400x64xf32, #tpu.memory_space<vmem>> -> memref<1x400x64xf32, #tpu.memory_space<vmem>>
      %dma_wait3A_499 = tpu.memref_squeeze %dma_wait3A_498 : memref<1x400x64xf32, #tpu.memory_space<vmem>> -> memref<400x64xf32, #tpu.memory_space<vmem>>
      tpu.wait_dma2 semaphore(%dma_wait3A_493 : memref<!tpu.dma_semaphore, #tpu.memory_space<semaphore_mem>>) src(%dma_wait3A_499 : memref<400x64xf32, #tpu.memory_space<vmem>>) dst(%dma_wait3A_495 : memref<400x64xf32, #tpu.memory_space<hbm>>)
      %mul3A_500 = arith.constant 4 : i32
      %mul3A_501 = arith.muli %scan3A_272, %mul3A_500 : i32
      %add3A_502 = arith.constant 2 : i32
      %add3A_503 = arith.addi %add3A_502, %mul3A_501 : i32
      %add3A_504 = arith.constant 3 : i32
      %add3A_505 = arith.addi %add3A_503, %add3A_504 : i32
      %add3A_506 = arith.constant 2 : i32
      %add3A_507 = arith.addi %add3A_505, %add3A_506 : i32
      %dma_start3A_508 = arith.constant 3 : i32
      %dma_start3A_509 = arith.constant 3 : i32
      %dma_start3A_510 = arith.constant 0 : i32
      %dma_start3A_511 = arith.constant 0 : i32
      %dma_start3A_512 = tpu.memref_slice %arg6[%dma_start3A_508, %dma_start3A_510, %dma_start3A_511] : memref<4x400x64xf32, #tpu.memory_space<vmem>> -> memref<1x400x64xf32, #tpu.memory_space<vmem>>
      %dma_start3A_513 = tpu.memref_squeeze %dma_start3A_512 : memref<1x400x64xf32, #tpu.memory_space<vmem>> -> memref<400x64xf32, #tpu.memory_space<vmem>>
      %dma_start3A_514 = arith.constant 0 : i32
      %dma_start3A_515 = tpu.memref_slice %arg5[%add3A_507, %dma_start3A_514] : memref<64x400xi32, #tpu.memory_space<vmem>> -> memref<1x400xi32, #tpu.memory_space<vmem>>
      %dma_start3A_516 = tpu.memref_squeeze %dma_start3A_515 : memref<1x400xi32, #tpu.memory_space<vmem>> -> memref<400xi32, #tpu.memory_space<vmem>>
      %dma_start3A_517 = arith.constant 0 : i32
      %dma_start3A_518 = arith.constant 0 : i32
      %dma_start3A_519 = tpu.memref_slice %arg3[%dma_start3A_517, %dma_start3A_518] : memref<1000000x64xf32, #tpu.memory_space<hbm>> -> memref<1000000x64xf32, #tpu.memory_space<hbm>>
      %dma_start3A_520 = tpu.memref_slice %arg7[%dma_start3A_509] : memref<4x!tpu.dma_semaphore, #tpu.memory_space<semaphore_mem>> -> memref<1x!tpu.dma_semaphore, #tpu.memory_space<semaphore_mem>>
      %dma_start3A_521 = tpu.memref_squeeze %dma_start3A_520 : memref<1x!tpu.dma_semaphore, #tpu.memory_space<semaphore_mem>> -> memref<!tpu.dma_semaphore, #tpu.memory_space<semaphore_mem>>
      tpu.enqueue_indirect_dma source(%dma_start3A_519 : memref<1000000x64xf32, #tpu.memory_space<hbm>>) target(%dma_start3A_513 : memref<400x64xf32, #tpu.memory_space<vmem>>) offsets(%dma_start3A_516 : memref<400xi32, #tpu.memory_space<vmem>>) semaphore(%dma_start3A_521 : memref<!tpu.dma_semaphore, #tpu.memory_space<semaphore_mem>>)
      %dma_wait3A_522 = arith.constant 1 : i32
      %dma_wait3A_523 = arith.constant 1 : i32
      %dma_wait3A_524 = arith.constant 0 : i32
      %dma_wait3A_525 = arith.constant 0 : i32
      %dma_wait3A_526 = tpu.memref_slice %arg6[%dma_wait3A_522, %dma_wait3A_524, %dma_wait3A_525] : memref<4x400x64xf32, #tpu.memory_space<vmem>> -> memref<1x400x64xf32, #tpu.memory_space<vmem>>
      %dma_wait3A_527 = tpu.memref_squeeze %dma_wait3A_526 : memref<1x400x64xf32, #tpu.memory_space<vmem>> -> memref<400x64xf32, #tpu.memory_space<vmem>>
      %dma_wait3A_528 = arith.constant 0 : i32
      %dma_wait3A_529 = tpu.memref_slice %arg5[%add3A_505, %dma_wait3A_528] : memref<64x400xi32, #tpu.memory_space<vmem>> -> memref<1x400xi32, #tpu.memory_space<vmem>>
      %dma_wait3A_530 = tpu.memref_squeeze %dma_wait3A_529 : memref<1x400xi32, #tpu.memory_space<vmem>> -> memref<400xi32, #tpu.memory_space<vmem>>
      %dma_wait3A_531 = arith.constant 0 : i32
      %dma_wait3A_532 = arith.constant 0 : i32
      %dma_wait3A_533 = tpu.memref_slice %arg3[%dma_wait3A_531, %dma_wait3A_532] : memref<1000000x64xf32, #tpu.memory_space<hbm>> -> memref<1000000x64xf32, #tpu.memory_space<hbm>>
      %dma_wait3A_534 = tpu.memref_slice %arg7[%dma_wait3A_523] : memref<4x!tpu.dma_semaphore, #tpu.memory_space<semaphore_mem>> -> memref<1x!tpu.dma_semaphore, #tpu.memory_space<semaphore_mem>>
      %dma_wait3A_535 = tpu.memref_squeeze %dma_wait3A_534 : memref<1x!tpu.dma_semaphore, #tpu.memory_space<semaphore_mem>> -> memref<!tpu.dma_semaphore, #tpu.memory_space<semaphore_mem>>
      tpu.wait_indirect_dma semaphore(%dma_wait3A_535 : memref<!tpu.dma_semaphore, #tpu.memory_space<semaphore_mem>>) src(%dma_wait3A_533 : memref<1000000x64xf32, #tpu.memory_space<hbm>>) dst(%dma_wait3A_527 : memref<400x64xf32, #tpu.memory_space<vmem>>)
      %mul3A_536 = arith.constant 400 : i32
      %mul3A_537 = arith.muli %add3A_505, %mul3A_536 : i32
      %add3A_538 = arith.addi %mul3A_2, %mul3A_537 : i32
      %dma_start3A_539 = arith.constant 1 : i32
      %dma_start3A_540 = arith.constant 1 : i32
      %dma_start3A_541 = arith.constant 0 : i32
      %dma_start3A_542 = arith.constant 0 : i32
      %dma_start3A_543 = tpu.memref_slice %arg6[%dma_start3A_539, %dma_start3A_541, %dma_start3A_542] : memref<4x400x64xf32, #tpu.memory_space<vmem>> -> memref<1x400x64xf32, #tpu.memory_space<vmem>>
      %dma_start3A_544 = tpu.memref_squeeze %dma_start3A_543 : memref<1x400x64xf32, #tpu.memory_space<vmem>> -> memref<400x64xf32, #tpu.memory_space<vmem>>
      %dma_start3A_545 = arith.constant 0 : i32
      %dma_start3A_546 = tpu.memref_slice %arg4[%add3A_538, %dma_start3A_545] : memref<819200x64xf32, #tpu.memory_space<hbm>> -> memref<400x64xf32, #tpu.memory_space<hbm>>
      %dma_start3A_547 = tpu.memref_slice %arg8[%dma_start3A_540] : memref<4x!tpu.dma_semaphore, #tpu.memory_space<semaphore_mem>> -> memref<1x!tpu.dma_semaphore, #tpu.memory_space<semaphore_mem>>
      %dma_start3A_548 = tpu.memref_squeeze %dma_start3A_547 : memref<1x!tpu.dma_semaphore, #tpu.memory_space<semaphore_mem>> -> memref<!tpu.dma_semaphore, #tpu.memory_space<semaphore_mem>>
      %dma_start3A_549 = arith.constant 0 : i32
      %dma_start3A_550 = tpu.memref_slice %arg4[%add3A_538, %dma_start3A_549] : memref<819200x64xf32, #tpu.memory_space<hbm>> -> memref<400x64xf32, #tpu.memory_space<hbm>>
      %dma_start3A_551 = arith.constant 0 : i32
      %dma_start3A_552 = arith.constant 0 : i32
      %dma_start3A_553 = tpu.memref_slice %arg6[%dma_start3A_539, %dma_start3A_551, %dma_start3A_552] : memref<4x400x64xf32, #tpu.memory_space<vmem>> -> memref<1x400x64xf32, #tpu.memory_space<vmem>>
      %dma_start3A_554 = tpu.memref_squeeze %dma_start3A_553 : memref<1x400x64xf32, #tpu.memory_space<vmem>> -> memref<400x64xf32, #tpu.memory_space<vmem>>
      tpu.enqueue_dma source(%dma_start3A_554 : memref<400x64xf32, #tpu.memory_space<vmem>>) target(%dma_start3A_550 : memref<400x64xf32, #tpu.memory_space<hbm>>) target_semaphore(%dma_start3A_548 : memref<!tpu.dma_semaphore, #tpu.memory_space<semaphore_mem>>)
      %sub3A_555 = arith.constant 1 : i32
      %sub3A_556 = arith.subi %add3A_505, %sub3A_555 : i32
      %mul3A_557 = arith.constant 400 : i32
      %mul3A_558 = arith.muli %sub3A_556, %mul3A_557 : i32
      %add3A_559 = arith.addi %mul3A_2, %mul3A_558 : i32
      %dma_wait3A_560 = arith.constant 0 : i32
      %dma_wait3A_561 = arith.constant 0 : i32
      %dma_wait3A_562 = arith.constant 0 : i32
      %dma_wait3A_563 = arith.constant 0 : i32
      %dma_wait3A_564 = tpu.memref_slice %arg6[%dma_wait3A_560, %dma_wait3A_562, %dma_wait3A_563] : memref<4x400x64xf32, #tpu.memory_space<vmem>> -> memref<1x400x64xf32, #tpu.memory_space<vmem>>
      %dma_wait3A_565 = tpu.memref_squeeze %dma_wait3A_564 : memref<1x400x64xf32, #tpu.memory_space<vmem>> -> memref<400x64xf32, #tpu.memory_space<vmem>>
      %dma_wait3A_566 = arith.constant 0 : i32
      %dma_wait3A_567 = tpu.memref_slice %arg4[%add3A_559, %dma_wait3A_566] : memref<819200x64xf32, #tpu.memory_space<hbm>> -> memref<400x64xf32, #tpu.memory_space<hbm>>
      %dma_wait3A_568 = tpu.memref_slice %arg8[%dma_wait3A_561] : memref<4x!tpu.dma_semaphore, #tpu.memory_space<semaphore_mem>> -> memref<1x!tpu.dma_semaphore, #tpu.memory_space<semaphore_mem>>
      %dma_wait3A_569 = tpu.memref_squeeze %dma_wait3A_568 : memref<1x!tpu.dma_semaphore, #tpu.memory_space<semaphore_mem>> -> memref<!tpu.dma_semaphore, #tpu.memory_space<semaphore_mem>>
      %dma_wait3A_570 = arith.constant 0 : i32
      %dma_wait3A_571 = tpu.memref_slice %arg4[%add3A_559, %dma_wait3A_570] : memref<819200x64xf32, #tpu.memory_space<hbm>> -> memref<400x64xf32, #tpu.memory_space<hbm>>
      %dma_wait3A_572 = arith.constant 0 : i32
      %dma_wait3A_573 = arith.constant 0 : i32
      %dma_wait3A_574 = tpu.memref_slice %arg6[%dma_wait3A_560, %dma_wait3A_572, %dma_wait3A_573] : memref<4x400x64xf32, #tpu.memory_space<vmem>> -> memref<1x400x64xf32, #tpu.memory_space<vmem>>
      %dma_wait3A_575 = tpu.memref_squeeze %dma_wait3A_574 : memref<1x400x64xf32, #tpu.memory_space<vmem>> -> memref<400x64xf32, #tpu.memory_space<vmem>>
      tpu.wait_dma2 semaphore(%dma_wait3A_569 : memref<!tpu.dma_semaphore, #tpu.memory_space<semaphore_mem>>) src(%dma_wait3A_575 : memref<400x64xf32, #tpu.memory_space<vmem>>) dst(%dma_wait3A_571 : memref<400x64xf32, #tpu.memory_space<hbm>>)
    }
    %scan3A_151 = arith.constant 15 : i32
    %dma_wait3A_152 = arith.constant 62 : i32
    %dma_wait3A_153 = arith.constant 2 : i32
    %dma_wait3A_154 = arith.constant 2 : i32
    %dma_wait3A_155 = arith.constant 0 : i32
    %dma_wait3A_156 = arith.constant 0 : i32
    %dma_wait3A_157 = tpu.memref_slice %arg6[%dma_wait3A_153, %dma_wait3A_155, %dma_wait3A_156] : memref<4x400x64xf32, #tpu.memory_space<vmem>> -> memref<1x400x64xf32, #tpu.memory_space<vmem>>
    %dma_wait3A_158 = tpu.memref_squeeze %dma_wait3A_157 : memref<1x400x64xf32, #tpu.memory_space<vmem>> -> memref<400x64xf32, #tpu.memory_space<vmem>>
    %dma_wait3A_159 = arith.constant 0 : i32
    %dma_wait3A_160 = tpu.memref_slice %arg5[%dma_wait3A_152, %dma_wait3A_159] : memref<64x400xi32, #tpu.memory_space<vmem>> -> memref<1x400xi32, #tpu.memory_space<vmem>>
    %dma_wait3A_161 = tpu.memref_squeeze %dma_wait3A_160 : memref<1x400xi32, #tpu.memory_space<vmem>> -> memref<400xi32, #tpu.memory_space<vmem>>
    %dma_wait3A_162 = arith.constant 0 : i32
    %dma_wait3A_163 = arith.constant 0 : i32
    %dma_wait3A_164 = tpu.memref_slice %arg3[%dma_wait3A_162, %dma_wait3A_163] : memref<1000000x64xf32, #tpu.memory_space<hbm>> -> memref<1000000x64xf32, #tpu.memory_space<hbm>>
    %dma_wait3A_165 = tpu.memref_slice %arg7[%dma_wait3A_154] : memref<4x!tpu.dma_semaphore, #tpu.memory_space<semaphore_mem>> -> memref<1x!tpu.dma_semaphore, #tpu.memory_space<semaphore_mem>>
    %dma_wait3A_166 = tpu.memref_squeeze %dma_wait3A_165 : memref<1x!tpu.dma_semaphore, #tpu.memory_space<semaphore_mem>> -> memref<!tpu.dma_semaphore, #tpu.memory_space<semaphore_mem>>
    tpu.wait_indirect_dma semaphore(%dma_wait3A_166 : memref<!tpu.dma_semaphore, #tpu.memory_space<semaphore_mem>>) src(%dma_wait3A_164 : memref<1000000x64xf32, #tpu.memory_space<hbm>>) dst(%dma_wait3A_158 : memref<400x64xf32, #tpu.memory_space<vmem>>)
    %add3A_167 = arith.constant 24800 : i32
    %add3A_168 = arith.addi %mul3A_2, %add3A_167 : i32
    %dma_start3A_169 = arith.constant 2 : i32
    %dma_start3A_170 = arith.constant 2 : i32
    %dma_start3A_171 = arith.constant 0 : i32
    %dma_start3A_172 = arith.constant 0 : i32
    %dma_start3A_173 = tpu.memref_slice %arg6[%dma_start3A_169, %dma_start3A_171, %dma_start3A_172] : memref<4x400x64xf32, #tpu.memory_space<vmem>> -> memref<1x400x64xf32, #tpu.memory_space<vmem>>
    %dma_start3A_174 = tpu.memref_squeeze %dma_start3A_173 : memref<1x400x64xf32, #tpu.memory_space<vmem>> -> memref<400x64xf32, #tpu.memory_space<vmem>>
    %dma_start3A_175 = arith.constant 0 : i32
    %dma_start3A_176 = tpu.memref_slice %arg4[%add3A_168, %dma_start3A_175] : memref<819200x64xf32, #tpu.memory_space<hbm>> -> memref<400x64xf32, #tpu.memory_space<hbm>>
    %dma_start3A_177 = tpu.memref_slice %arg8[%dma_start3A_170] : memref<4x!tpu.dma_semaphore, #tpu.memory_space<semaphore_mem>> -> memref<1x!tpu.dma_semaphore, #tpu.memory_space<semaphore_mem>>
    %dma_start3A_178 = tpu.memref_squeeze %dma_start3A_177 : memref<1x!tpu.dma_semaphore, #tpu.memory_space<semaphore_mem>> -> memref<!tpu.dma_semaphore, #tpu.memory_space<semaphore_mem>>
    %dma_start3A_179 = arith.constant 0 : i32
    %dma_start3A_180 = tpu.memref_slice %arg4[%add3A_168, %dma_start3A_179] : memref<819200x64xf32, #tpu.memory_space<hbm>> -> memref<400x64xf32, #tpu.memory_space<hbm>>
    %dma_start3A_181 = arith.constant 0 : i32
    %dma_start3A_182 = arith.constant 0 : i32
    %dma_start3A_183 = tpu.memref_slice %arg6[%dma_start3A_169, %dma_start3A_181, %dma_start3A_182] : memref<4x400x64xf32, #tpu.memory_space<vmem>> -> memref<1x400x64xf32, #tpu.memory_space<vmem>>
    %dma_start3A_184 = tpu.memref_squeeze %dma_start3A_183 : memref<1x400x64xf32, #tpu.memory_space<vmem>> -> memref<400x64xf32, #tpu.memory_space<vmem>>
    tpu.enqueue_dma source(%dma_start3A_184 : memref<400x64xf32, #tpu.memory_space<vmem>>) target(%dma_start3A_180 : memref<400x64xf32, #tpu.memory_space<hbm>>) target_semaphore(%dma_start3A_178 : memref<!tpu.dma_semaphore, #tpu.memory_space<semaphore_mem>>)
    %add3A_185 = arith.constant 24400 : i32
    %add3A_186 = arith.addi %mul3A_2, %add3A_185 : i32
    %dma_wait3A_187 = arith.constant 1 : i32
    %dma_wait3A_188 = arith.constant 1 : i32
    %dma_wait3A_189 = arith.constant 0 : i32
    %dma_wait3A_190 = arith.constant 0 : i32
    %dma_wait3A_191 = tpu.memref_slice %arg6[%dma_wait3A_187, %dma_wait3A_189, %dma_wait3A_190] : memref<4x400x64xf32, #tpu.memory_space<vmem>> -> memref<1x400x64xf32, #tpu.memory_space<vmem>>
    %dma_wait3A_192 = tpu.memref_squeeze %dma_wait3A_191 : memref<1x400x64xf32, #tpu.memory_space<vmem>> -> memref<400x64xf32, #tpu.memory_space<vmem>>
    %dma_wait3A_193 = arith.constant 0 : i32
    %dma_wait3A_194 = tpu.memref_slice %arg4[%add3A_186, %dma_wait3A_193] : memref<819200x64xf32, #tpu.memory_space<hbm>> -> memref<400x64xf32, #tpu.memory_space<hbm>>
    %dma_wait3A_195 = tpu.memref_slice %arg8[%dma_wait3A_188] : memref<4x!tpu.dma_semaphore, #tpu.memory_space<semaphore_mem>> -> memref<1x!tpu.dma_semaphore, #tpu.memory_space<semaphore_mem>>
    %dma_wait3A_196 = tpu.memref_squeeze %dma_wait3A_195 : memref<1x!tpu.dma_semaphore, #tpu.memory_space<semaphore_mem>> -> memref<!tpu.dma_semaphore, #tpu.memory_space<semaphore_mem>>
    %dma_wait3A_197 = arith.constant 0 : i32
    %dma_wait3A_198 = tpu.memref_slice %arg4[%add3A_186, %dma_wait3A_197] : memref<819200x64xf32, #tpu.memory_space<hbm>> -> memref<400x64xf32, #tpu.memory_space<hbm>>
    %dma_wait3A_199 = arith.constant 0 : i32
    %dma_wait3A_200 = arith.constant 0 : i32
    %dma_wait3A_201 = tpu.memref_slice %arg6[%dma_wait3A_187, %dma_wait3A_199, %dma_wait3A_200] : memref<4x400x64xf32, #tpu.memory_space<vmem>> -> memref<1x400x64xf32, #tpu.memory_space<vmem>>
    %dma_wait3A_202 = tpu.memref_squeeze %dma_wait3A_201 : memref<1x400x64xf32, #tpu.memory_space<vmem>> -> memref<400x64xf32, #tpu.memory_space<vmem>>
    tpu.wait_dma2 semaphore(%dma_wait3A_196 : memref<!tpu.dma_semaphore, #tpu.memory_space<semaphore_mem>>) src(%dma_wait3A_202 : memref<400x64xf32, #tpu.memory_space<vmem>>) dst(%dma_wait3A_198 : memref<400x64xf32, #tpu.memory_space<hbm>>)
    %dma_wait3A_203 = arith.constant 63 : i32
    %dma_wait3A_204 = arith.constant 3 : i32
    %dma_wait3A_205 = arith.constant 3 : i32
    %dma_wait3A_206 = arith.constant 0 : i32
    %dma_wait3A_207 = arith.constant 0 : i32
    %dma_wait3A_208 = tpu.memref_slice %arg6[%dma_wait3A_204, %dma_wait3A_206, %dma_wait3A_207] : memref<4x400x64xf32, #tpu.memory_space<vmem>> -> memref<1x400x64xf32, #tpu.memory_space<vmem>>
    %dma_wait3A_209 = tpu.memref_squeeze %dma_wait3A_208 : memref<1x400x64xf32, #tpu.memory_space<vmem>> -> memref<400x64xf32, #tpu.memory_space<vmem>>
    %dma_wait3A_210 = arith.constant 0 : i32
    %dma_wait3A_211 = tpu.memref_slice %arg5[%dma_wait3A_203, %dma_wait3A_210] : memref<64x400xi32, #tpu.memory_space<vmem>> -> memref<1x400xi32, #tpu.memory_space<vmem>>
    %dma_wait3A_212 = tpu.memref_squeeze %dma_wait3A_211 : memref<1x400xi32, #tpu.memory_space<vmem>> -> memref<400xi32, #tpu.memory_space<vmem>>
    %dma_wait3A_213 = arith.constant 0 : i32
    %dma_wait3A_214 = arith.constant 0 : i32
    %dma_wait3A_215 = tpu.memref_slice %arg3[%dma_wait3A_213, %dma_wait3A_214] : memref<1000000x64xf32, #tpu.memory_space<hbm>> -> memref<1000000x64xf32, #tpu.memory_space<hbm>>
    %dma_wait3A_216 = tpu.memref_slice %arg7[%dma_wait3A_205] : memref<4x!tpu.dma_semaphore, #tpu.memory_space<semaphore_mem>> -> memref<1x!tpu.dma_semaphore, #tpu.memory_space<semaphore_mem>>
    %dma_wait3A_217 = tpu.memref_squeeze %dma_wait3A_216 : memref<1x!tpu.dma_semaphore, #tpu.memory_space<semaphore_mem>> -> memref<!tpu.dma_semaphore, #tpu.memory_space<semaphore_mem>>
    tpu.wait_indirect_dma semaphore(%dma_wait3A_217 : memref<!tpu.dma_semaphore, #tpu.memory_space<semaphore_mem>>) src(%dma_wait3A_215 : memref<1000000x64xf32, #tpu.memory_space<hbm>>) dst(%dma_wait3A_209 : memref<400x64xf32, #tpu.memory_space<vmem>>)
    %add3A_218 = arith.constant 25200 : i32
    %add3A_219 = arith.addi %mul3A_2, %add3A_218 : i32
    %dma_start3A_220 = arith.constant 3 : i32
    %dma_start3A_221 = arith.constant 3 : i32
    %dma_start3A_222 = arith.constant 0 : i32
    %dma_start3A_223 = arith.constant 0 : i32
    %dma_start3A_224 = tpu.memref_slice %arg6[%dma_start3A_220, %dma_start3A_222, %dma_start3A_223] : memref<4x400x64xf32, #tpu.memory_space<vmem>> -> memref<1x400x64xf32, #tpu.memory_space<vmem>>
    %dma_start3A_225 = tpu.memref_squeeze %dma_start3A_224 : memref<1x400x64xf32, #tpu.memory_space<vmem>> -> memref<400x64xf32, #tpu.memory_space<vmem>>
    %dma_start3A_226 = arith.constant 0 : i32
    %dma_start3A_227 = tpu.memref_slice %arg4[%add3A_219, %dma_start3A_226] : memref<819200x64xf32, #tpu.memory_space<hbm>> -> memref<400x64xf32, #tpu.memory_space<hbm>>
    %dma_start3A_228 = tpu.memref_slice %arg8[%dma_start3A_221] : memref<4x!tpu.dma_semaphore, #tpu.memory_space<semaphore_mem>> -> memref<1x!tpu.dma_semaphore, #tpu.memory_space<semaphore_mem>>
    %dma_start3A_229 = tpu.memref_squeeze %dma_start3A_228 : memref<1x!tpu.dma_semaphore, #tpu.memory_space<semaphore_mem>> -> memref<!tpu.dma_semaphore, #tpu.memory_space<semaphore_mem>>
    %dma_start3A_230 = arith.constant 0 : i32
    %dma_start3A_231 = tpu.memref_slice %arg4[%add3A_219, %dma_start3A_230] : memref<819200x64xf32, #tpu.memory_space<hbm>> -> memref<400x64xf32, #tpu.memory_space<hbm>>
    %dma_start3A_232 = arith.constant 0 : i32
    %dma_start3A_233 = arith.constant 0 : i32
    %dma_start3A_234 = tpu.memref_slice %arg6[%dma_start3A_220, %dma_start3A_232, %dma_start3A_233] : memref<4x400x64xf32, #tpu.memory_space<vmem>> -> memref<1x400x64xf32, #tpu.memory_space<vmem>>
    %dma_start3A_235 = tpu.memref_squeeze %dma_start3A_234 : memref<1x400x64xf32, #tpu.memory_space<vmem>> -> memref<400x64xf32, #tpu.memory_space<vmem>>
    tpu.enqueue_dma source(%dma_start3A_235 : memref<400x64xf32, #tpu.memory_space<vmem>>) target(%dma_start3A_231 : memref<400x64xf32, #tpu.memory_space<hbm>>) target_semaphore(%dma_start3A_229 : memref<!tpu.dma_semaphore, #tpu.memory_space<semaphore_mem>>)
    %add3A_236 = arith.constant 24800 : i32
    %add3A_237 = arith.addi %mul3A_2, %add3A_236 : i32
    %dma_wait3A_238 = arith.constant 2 : i32
    %dma_wait3A_239 = arith.constant 2 : i32
    %dma_wait3A_240 = arith.constant 0 : i32
    %dma_wait3A_241 = arith.constant 0 : i32
    %dma_wait3A_242 = tpu.memref_slice %arg6[%dma_wait3A_238, %dma_wait3A_240, %dma_wait3A_241] : memref<4x400x64xf32, #tpu.memory_space<vmem>> -> memref<1x400x64xf32, #tpu.memory_space<vmem>>
    %dma_wait3A_243 = tpu.memref_squeeze %dma_wait3A_242 : memref<1x400x64xf32, #tpu.memory_space<vmem>> -> memref<400x64xf32, #tpu.memory_space<vmem>>
    %dma_wait3A_244 = arith.constant 0 : i32
    %dma_wait3A_245 = tpu.memref_slice %arg4[%add3A_237, %dma_wait3A_244] : memref<819200x64xf32, #tpu.memory_space<hbm>> -> memref<400x64xf32, #tpu.memory_space<hbm>>
    %dma_wait3A_246 = tpu.memref_slice %arg8[%dma_wait3A_239] : memref<4x!tpu.dma_semaphore, #tpu.memory_space<semaphore_mem>> -> memref<1x!tpu.dma_semaphore, #tpu.memory_space<semaphore_mem>>
    %dma_wait3A_247 = tpu.memref_squeeze %dma_wait3A_246 : memref<1x!tpu.dma_semaphore, #tpu.memory_space<semaphore_mem>> -> memref<!tpu.dma_semaphore, #tpu.memory_space<semaphore_mem>>
    %dma_wait3A_248 = arith.constant 0 : i32
    %dma_wait3A_249 = tpu.memref_slice %arg4[%add3A_237, %dma_wait3A_248] : memref<819200x64xf32, #tpu.memory_space<hbm>> -> memref<400x64xf32, #tpu.memory_space<hbm>>
    %dma_wait3A_250 = arith.constant 0 : i32
    %dma_wait3A_251 = arith.constant 0 : i32
    %dma_wait3A_252 = tpu.memref_slice %arg6[%dma_wait3A_238, %dma_wait3A_250, %dma_wait3A_251] : memref<4x400x64xf32, #tpu.memory_space<vmem>> -> memref<1x400x64xf32, #tpu.memory_space<vmem>>
    %dma_wait3A_253 = tpu.memref_squeeze %dma_wait3A_252 : memref<1x400x64xf32, #tpu.memory_space<vmem>> -> memref<400x64xf32, #tpu.memory_space<vmem>>
    tpu.wait_dma2 semaphore(%dma_wait3A_247 : memref<!tpu.dma_semaphore, #tpu.memory_space<semaphore_mem>>) src(%dma_wait3A_253 : memref<400x64xf32, #tpu.memory_space<vmem>>) dst(%dma_wait3A_249 : memref<400x64xf32, #tpu.memory_space<hbm>>)
    %add3A_254 = arith.constant 25200 : i32
    %add3A_255 = arith.addi %mul3A_2, %add3A_254 : i32
    %dma_wait3A_256 = arith.constant 3 : i32
    %dma_wait3A_257 = arith.constant 3 : i32
    %dma_wait3A_258 = arith.constant 0 : i32
    %dma_wait3A_259 = arith.constant 0 : i32
    %dma_wait3A_260 = tpu.memref_slice %arg6[%dma_wait3A_256, %dma_wait3A_258, %dma_wait3A_259] : memref<4x400x64xf32, #tpu.memory_space<vmem>> -> memref<1x400x64xf32, #tpu.memory_space<vmem>>
    %dma_wait3A_261 = tpu.memref_squeeze %dma_wait3A_260 : memref<1x400x64xf32, #tpu.memory_space<vmem>> -> memref<400x64xf32, #tpu.memory_space<vmem>>
    %dma_wait3A_262 = arith.constant 0 : i32
    %dma_wait3A_263 = tpu.memref_slice %arg4[%add3A_255, %dma_wait3A_262] : memref<819200x64xf32, #tpu.memory_space<hbm>> -> memref<400x64xf32, #tpu.memory_space<hbm>>
    %dma_wait3A_264 = tpu.memref_slice %arg8[%dma_wait3A_257] : memref<4x!tpu.dma_semaphore, #tpu.memory_space<semaphore_mem>> -> memref<1x!tpu.dma_semaphore, #tpu.memory_space<semaphore_mem>>
    %dma_wait3A_265 = tpu.memref_squeeze %dma_wait3A_264 : memref<1x!tpu.dma_semaphore, #tpu.memory_space<semaphore_mem>> -> memref<!tpu.dma_semaphore, #tpu.memory_space<semaphore_mem>>
    %dma_wait3A_266 = arith.constant 0 : i32
    %dma_wait3A_267 = tpu.memref_slice %arg4[%add3A_255, %dma_wait3A_266] : memref<819200x64xf32, #tpu.memory_space<hbm>> -> memref<400x64xf32, #tpu.memory_space<hbm>>
    %dma_wait3A_268 = arith.constant 0 : i32
    %dma_wait3A_269 = arith.constant 0 : i32
    %dma_wait3A_270 = tpu.memref_slice %arg6[%dma_wait3A_256, %dma_wait3A_268, %dma_wait3A_269] : memref<4x400x64xf32, #tpu.memory_space<vmem>> -> memref<1x400x64xf32, #tpu.memory_space<vmem>>
    %dma_wait3A_271 = tpu.memref_squeeze %dma_wait3A_270 : memref<1x400x64xf32, #tpu.memory_space<vmem>> -> memref<400x64xf32, #tpu.memory_space<vmem>>
    tpu.wait_dma2 semaphore(%dma_wait3A_265 : memref<!tpu.dma_semaphore, #tpu.memory_space<semaphore_mem>>) src(%dma_wait3A_271 : memref<400x64xf32, #tpu.memory_space<vmem>>) dst(%dma_wait3A_267 : memref<400x64xf32, #tpu.memory_space<hbm>>)
    return
  }
}

</mosaic_0001>

<sc_bundles>
// kernel: kernel.3.cloned.1.call-start
scs
__scs_entry_jumppad:
0x0: {  	(pc) =	sbr.rel $0x88, $3  }
0x1: {  	(tag) =	ssettag $0x0;
	lr =	simm.s32 $0x1  }
0x2: {  	[smem:$0x3F9F] =	sst lr;
	_ =	strace $0xD0000000  }
0x3: {  	_ = 	snop  }
0x4: {  	_ = 	snop  }
0x5: {  	_ = 	snop  }
0x6: {  	_ = 	snop  }
0x7: {  	_ = 	snop  }
__scs_overlays_trampoline_lowered:
0x8: {  	[smem:$0x3FAE] =	sst s0  }
0x9: {  	[smem:$0x3FAF] =	sst s1  }
0xa: {  	[smem:$0x3FB0] =	sst s2  }
0xb: {  	[smem:$0x3FB1] =	sst s3  }
0xc: {  	[smem:$0x3FB2] =	sst s4  }
0xd: {  	[smem:$0x3FB3] =	sst s5  }
0xe: {  	[smem:$0x3FB4] =	sst s6  }
0xf: {  	[smem:$0x3FB5] =	sst s7  }
0x10: {  	[smem:$0x3FB6] =	sst s8  }
0x11: {  	[smem:$0x3FB7] =	sst s9;
	s0 =	simm.s32 @!p0 $0x0  }
0x12: {  	s1 =	sld [smem:$0x3F9D];
	s0 =	simm.s32 @p0 $0x1  }
0x13: {  	[smem:$0x3FB8] =	sst s0;
	s0 =	simm.s32 @!p1 $0x0  }
0x14: {  	s2 =	sld [smem:$0x3F9C];
	s0 =	simm.s32 @p1 $0x1  }
0x15: {  	[smem:$0x3FB9] =	sst s0;
	s0 =	simm.s32 @!p2 $0x0  }
0x16: {  	s3 =	sld [smem:$0x3FDB];
	s0 =	simm.s32 @p2 $0x1  }
0x17: {  	s4 =	simm.s32 $0x1BF5;
	[smem:$0x3FBB] =	sst s0  }
0x18: {  	s0 =	sld [smem:$0x3F9E];
	_ =	swait.ge [sflag:s4], $0x0  }
0x19: {  	s7 =	sld [smem:$0x3F9F]  }
0x1a: {  	s8 =	sadd.s32 $0xFFFFE003, lr  }
0x1b: {  	s9 =	sadd.s32 $0xFFFFFEF7, lr;
	s5 =	simm.s32 $0xFFFFFFFF;
	p2 =	slt.u32 s8, $0xFFFFF086  }
0x1c: {  	p1 =	slt.u32 s9, $0xF7A;
	s5 =	simm.s32 @!p2 $0x0  }
0x1d: {  	s5 =	simm.s32 @p1 $0x1;
	p0 =	seq.s32 s7, s2  }
0x1e: {  	s7 =	smul.u32 @!p0 $0xF7A, s2;
	p2 =	seq.s32 @!p0 s5, $0x0  }
0x1f: {  	s9 =	smul.u32 $0xF7A, s1;
	s8 =	simm.s32 @!p0 $0x1BF5;
	p2 =	por !p2, p0  }
0x20: {  	[sflag:s8] =	ssyncset.s32 @!p0 $0xFFFFF086;
	s6 =	sadd.s32 @!p0 s3, s7;
	s7 =	simm.s32 @!p0 $0x108  }
0x21: {  	s3 =	sadd.s32 s3, s9;
	s6 =	sadd.s32 @!p0 $0x88, s6;
	s7 =	simm.s32 @p2 $0x1082  }
0x22: {  	[simem:s7], [sflag:s8] =	dma.local @!p0 [hbm:s6], $0xF7A  }
0x23: {  	s9 =	sor.u32 $0xD0000000, s2;
	s6 =	simm.s32 $0x108;
	_ =	swait.ge @!p0 [sflag:s8], $0x0  }
0x24: {  	s3 =	sadd.s32 $0x88, s3;
	s6 =	simm.s32 @!p1 $0x1082;
	[sflag:s4] =	ssyncset.s32 $0xFFFFF086  }
0x25: {  	[simem:s6], [sflag:s4] =	dma.local [hbm:s3], $0xF7A  }
0x26: {  	[smem:$0x3F9F] =	sst s1;
	(tag) =	ssettag s2;
	_ =	strace s9  }
0x27: {  	s1 =	sld [smem:$0x3FAF]  }
0x28: {  	s2 =	sld [smem:$0x3FB0]  }
0x29: {  	s4 =	sld [smem:$0x3FB2]  }
0x2a: {  	p0 =	seq.s32 s5, $0x0;
	s5 =	sld [smem:$0x3FB3]  }
0x2b: {  	s6 =	sld [smem:$0x3FB4]  }
0x2c: {  	s7 =	sld [smem:$0x3FB5]  }
0x2d: {  	s3 =	simm.s32 $0x108;
	s8 =	sld [smem:$0x3FB6]  }
0x2e: {  	s3 =	simm.s32 @!p0 $0x1082;
	s9 =	sld [smem:$0x3FB7]  }
0x2f: {  	lr =	sadd.s32 s0, s3;
	s0 =	sld [smem:$0x3FAE]  }
0x30: {  	s3 =	sld [smem:$0x3FB1]  }
0x31: {  	[smem:$0x3FBA] =	sst s10  }
0x32: {  	s10 =	sld [smem:$0x3FB8];
	_ =	sdelay $0x3  }
0x33: {  	p0 =	seq.s32 s10, $0x1;
	s10 =	sld [smem:$0x3FBA];
	_ =	sdelay $0x3  }
0x34: {  	[smem:$0x3FBA] =	sst s10  }
0x35: {  	s10 =	sld [smem:$0x3FB9];
	_ =	sdelay $0x3  }
0x36: {  	p1 =	seq.s32 s10, $0x1;
	s10 =	sld [smem:$0x3FBA];
	_ =	sdelay $0x3  }
0x37: {  	[smem:$0x3FBA] =	sst s10  }
0x38: {  	s10 =	sld [smem:$0x3FBB]  }
0x39: {  	_ = 	snop;
	(pc) =	sbr.ind lr, $3  }
0x3a: {  	_ = 	snop  }
0x3b: {  	_ = 	snop  }
0x3c: {  	p2 =	seq.s32 s10, $0x1;
	s10 =	sld [smem:$0x3FBA]  }
0x3d: {  	_ =	shalt  }
0x3e: {  	_ =	shalt  }
0x3f: {  	_ =	shalt  }
0x40: {  	_ =	shalt  }
0x41: {  	_ =	shalt  }
0x42: {  	_ =	shalt  }
0x43: {  	_ =	shalt  }
0x44: {  	_ =	shalt  }
0x45: {  	_ =	shalt  }
0x46: {  	_ =	shalt  }
0x47: {  	_ =	shalt  }
0x48: {  	_ =	shalt  }
0x49: {  	_ =	shalt  }
0x4a: {  	_ =	shalt  }
0x4b: {  	_ =	shalt  }
0x4c: {  	_ =	shalt  }
0x4d: {  	_ =	shalt  }
0x4e: {  	_ =	shalt  }
0x4f: {  	_ =	shalt  }
0x50: {  	_ =	shalt  }
0x51: {  	_ =	shalt  }
0x52: {  	_ =	shalt  }
0x53: {  	_ =	shalt  }
0x54: {  	_ =	shalt  }
0x55: {  	_ =	shalt  }
0x56: {  	_ =	shalt  }
0x57: {  	_ =	shalt  }
0x58: {  	_ =	shalt  }
0x59: {  	_ =	shalt  }
0x5a: {  	_ =	shalt  }
0x5b: {  	_ =	shalt  }
0x5c: {  	_ =	shalt  }
0x5d: {  	_ =	shalt  }
0x5e: {  	_ =	shalt  }
0x5f: {  	_ =	shalt  }
0x60: {  	_ =	shalt  }
0x61: {  	_ =	shalt  }
0x62: {  	_ =	shalt  }
0x63: {  	_ =	shalt  }
0x64: {  	_ =	shalt  }
0x65: {  	_ =	shalt  }
0x66: {  	_ =	shalt  }
0x67: {  	_ =	shalt  }
0x68: {  	_ =	shalt  }
0x69: {  	_ =	shalt  }
0x6a: {  	_ =	shalt  }
0x6b: {  	_ =	shalt  }
0x6c: {  	_ =	shalt  }
0x6d: {  	_ =	shalt  }
0x6e: {  	_ =	shalt  }
0x6f: {  	_ =	shalt  }
0x70: {  	_ =	shalt  }
0x71: {  	_ =	shalt  }
0x72: {  	_ =	shalt  }
0x73: {  	_ =	shalt  }
0x74: {  	_ =	shalt  }
0x75: {  	_ =	shalt  }
0x76: {  	_ =	shalt  }
0x77: {  	_ =	shalt  }
0x78: {  	_ =	shalt  }
0x79: {  	_ =	shalt  }
0x7a: {  	_ =	shalt  }
0x7b: {  	_ =	shalt  }
0x7c: {  	_ =	shalt  }
0x7d: {  	_ =	shalt  }
0x7e: {  	_ =	shalt  }
0x7f: {  	_ =	shalt  }
0x80: {  	_ =	shalt  }
0x81: {  	_ =	shalt  }
0x82: {  	_ =	shalt  }
0x83: {  	_ =	shalt  }
0x84: {  	_ =	shalt  }
0x85: {  	_ =	shalt  }
0x86: {  	_ =	shalt  }
0x87: {  	_ =	shalt  }
.Lfunc_end0:
.L_simem_size_0:
called_computation.1_lowered:
.L_overlay_start_0:
0x88: {  	s2 =	sld [smem:$0x3FD9]  }
0x89: {  	s3 =	sld [smem:$0x3FFE];
	_ =	sdelay $0x1  }
0x8a: {  	s1 =	srdreg.scid  }
0x8b: {  	s0 =	sand.u32 $0x1, s1  }
0x8c: {  	s17 =	sshll.u32 s0, $0xA;
	s2 =	sadd.s32 s3, s2  }
0x8d: {  	s2 =	sadd.s32 s2, s17  }
0x8e: {  	[smem:$0x3FC6] =	sst s2  }
0x8f: {  	_ = 	snop  }
0x90: {  	s2 =	sld [smem:$0x3FD0];
	(tm) =	ssettm $0x1  }
0x91: {  	s18 =	sld [smem:$0x3FFB];
	_ =	sdelay $0x3  }
0x92: {  	_ =	strace s18  }
0x93: {  	s3 =	sld [smem:$0x3FFC];
	_ =	sdelay $0x3  }
0x94: {  	_ =	strace s3  }
0x95: {  	s3 =	sld [smem:$0x3FFD];
	_ =	sdelay $0x3  }
0x96: {  	_ =	strace s3  }
0x97: {  	_ =	strace $0x8FFFFFFF  }
0x98: {  	s19 =	sld [smem:$0x3FDB];
	_ =	sdelay $0x1  }
0x99: {  	s4 =	simm.s32 $_scs_section_size  }
0x9a: {  	s5 =	simm.s32 $_size__tile_overlayer_lowered;
	s6 =	simm.s32 $_tile_overlayer_lowered  }
0x9b: {  	s22 =	simm.s32 $0x1BFF;
	s21 =	sshll.u32 s6, $0x1;
	s3 =	sadd.s32 s4, s19  }
0x9c: {  	s7 =	simm.s32 $0x0;
	s20 =	sshll.u32 s5, $0x1;
	s5 =	sadd.s32 s21, s3  }
0x9d: {  	[timem:s7], [sflag:s22] =	dma.local [hbm:s5], s20  }
0x9e: {  	_ =	swait.ge [sflag:s22], s20  }
0x9f: {  	s4 =	ssub.s32 $0x0, s20;
	[sflag:s22] =	ssyncset.done $0x0  }
0xa0: {  	[sflag:s22] =	ssyncadd.s32 s4;
	_ =	sdelay $0x1  }
0xa1: {  	s23 =	simm.s32 $0x1B8B  }
0xa2: {  	_ =	swait.ge [sflag:s23], $0x1  }
0xa3: {  	[sflag:s23] =	ssyncset.done $0x0  }
0xa4: {  	s25 =	simm.s32 $0x1B8E;
	s24 =	sld [smem:$0x3FFE];
	[sflag:s23] =	ssyncadd.s32 $0xFFFFFFFF  }
0xa5: {  	s26 =	simm.s32 $execute0_lowered;
	[smem:$0x3FD2] =	sst s25  }
0xa6: {  	s5 =	sshll.u32 s26, $0x1;
	_ =	strace $0x80000046;
	[dreg:$0x1] =	wrdreg $0xFFFFFFFF  }
0xa7: {  	s28 =	simm.s32 $_size_execute0_lowered;
	s3 =	sadd.s32 s3, s5;
	[dreg:$0x0] =	wrdreg $0x0  }
0xa8: {  	s5 =	sshll.u32 s28, $0x1;
	[dreg:$0x2] =	wrdreg s3  }
0xa9: {  	[dreg:$0x3] =	wrdreg s5  }
0xaa: {  	[dreg:$0x4] =	wrdreg $0xC0  }
0xab: {  	_ =	task [dreg:s7], $0x5FFFF  }
0xac: {  	[dreg:$0x1] =	wrdreg $0xFFFFFFFF  }
0xad: {  	[dreg:$0x0] =	wrdreg $0x60  }
0xae: {  	[dreg:$0x2] =	wrdreg s24  }
0xaf: {  	[dreg:$0x3] =	wrdreg s2  }
0xb0: {  	[dreg:$0x4] =	wrdreg $0x9  }
0xb1: {  	_ =	task.clear_ibuf [dreg:s7], $0x5FFFF;
	_ =	strace $0x90000046  }
0xb2: {  	s29 =	simm.s32 $0x9;
	_ =	strace $0x80000048  }
0xb3: {  	_ =	swait.ge [sflag:s29], $0x1  }
0xb4: {  	[sflag:s29] =	ssyncadd.s32 $0xFFFFFFFF  }
0xb5: {  	_ =	strace $0x90000048  }
0xb6: {  	_ =	sfence  }
0xb7: {  	s30 =	sld [smem:$0x0];
	_ =	sdelay $0x2  }
0xb8: {  	s31 =	sshll.u32 s1, $0xD;
	s1 =	sshrl.u32 s1, $0x2  }
0xb9: {  	s3 =	sand.u32 $0x4000, s31;
	s1 =	sadd.s32 s1, s30  }
0xba: {  	s0 =	sor.u32 s3, s0;
	s1 =	sshll.u32 s1, $0x11  }
0xbb: {  	s0 =	sor.u32 s1, s0  }
0xbc: {  	s0 =	sadd.s32 $0x8F2B, s0  }
0xbd: {  	[sflag:s0] =	ssyncadd.remote.s32 $0x1  }
0xbe: {  	_ =	sfence.sel $0xFFFF  }
0xbf: {  	[dreg:$0x0] =	wrdreg $0xFFFFFFFF;
	(pc) =	sbr.abs _section_cstart, $3  }
0xc0: {  	[dreg:$0x1] =	wrdreg $0xFFFFFFFF  }
0xc1: {  	_ =	task.clear_ibuf [dreg:s7], $0x2FFFF;
	_ =	strace $0x9FFFFFFF  }
0xc2: {  	(tm) =	ssettm $0x7FFFFFFF  }
0xc3: {  	_ =	shalt  }
tec
execute0_lowered:
.L_overlay_start_1:
0x0: {  	(tag) =	ssettag $0x1  }
0x1: {  	s0 =	srdreg.scid;
	s1 =	rddreg [dreg:$0x0]  }
0x2: {  	s9 =	stileid.u32;
	s4 =	rddreg [dreg:$0x1]  }
0x3: {  	s14 =	simm.s32 $0x9;
	s15 =	simm.s32 $0x190;
	s16 =	simm.s32 $0x6400  }
0x4: {  	s17 =	simm.s32 $0xC800;
	s19 =	simm.s32 $0x12C00;
	s20 =	simm.s32 $0x1  }
0x5: {  	s22 =	simm.s32 $0x19000;
	s28 =	simm.s32 $0x4;
	s29 =	simm.s32 $0x7  }
0x6: {  	s0 =	sand.u32 $0x1, s0;
	s2 =	sshll.u32 s9, $0x1;
	s9 =	smul.u32 $0xC800, s9  }
0x7: {  	s3 =	sor.u32 s0, s2;
	s8 =	ssub.s32 $0x2, s0;
	s0 =	smul.u32 $0x6400, s0  }
0x8: {  	s30 =	simm.s32 $0x8;
	s2 =	simm.s32 $0x0;
	s5 =	smul.u32 $0xC80, s3  }
0x9: {  	s31 =	simm.s32 $0x0;
	[smem:$0x7FF] =	sst s2;
	s6 =	smul.u32 $0x32000, s3  }
0xa: {  	s7 =	smul.u32 $0x190000, s3;
	s3 =	sadd.s32 $0xF42E00, s1;
	s23 =	sshrl.u32 s8, $0x1  }
0xb: {  	_ =	strace $0x80000047;
	s0 =	sadd.s32 s0, s9;
	s5 =	sadd.s32 s5, s1  }
0xc: {  	s1 =	ssub.s32 s8, s23;
	s7 =	sshrl.u32 s7, $0x3;
	s0 =	sshll.u32 s0, $0x3  }
0xd: {  	s23 =	simm.s32 $0x2;
	s5 =	sadd.s32 $0xA00, s5;
	s24 =	sadd.s32 s4, s7  }
0xe: {  	s1 =	smax.u32 s1, $0x1;
	s0 =	sadd.s32 s4, s0;
	[dreg:$0x3] =	wrdreg s5  }
0xf: {  	s5 =	sadd.s32 s4, s6;
	s26 =	sadd.s32 $0x30700, s24;
	s6 =	sadd.s32 $0x31380, s24  }
0x10: {  	[dreg:$0x7] =	wrdreg s1;
	s10 =	sadd.s32 $0x2580, s0;
	s11 =	sadd.s32 $0x1900, s0  }
0x11: {  	s12 =	sadd.s32 $0x3E80, s0;
	s13 =	sadd.s32 $0x3200, s0;
	[dreg:$0x5] =	wrdreg s26  }
0x12: {  	s24 =	simm.s32 $0x5;
	s25 =	sadd.s32 $0xC80, s5;
	[dreg:$0x6] =	wrdreg s6  }
0x13: {  	s26 =	simm.s32 $0x6;
	[dreg:$0x4] =	wrdreg s25;
	s25 =	simm.s32 $0x3  }
.LBB2_1:
0x14: {  	s0 =	rddreg [dreg:$0x3]  }
0x15: {  	[tilespmem:s2], [sflag:$0x9] =	stream.linear.gather [hbm4b:s0+s2], $0x6400, $0x38;
	[tilespmem:$0x1F400] =	vst v63  }
0x16: {  	_ =	swait.ge [sflag:s14], $0x6400  }
0x17: {  	[sflag:s14] =	ssyncset.done $0x0  }
0x18: {  	[sflag:s14] =	ssyncadd.s32 $0xFFFF9C00  }
0x19: {  	[tilespmem:s16], [sflag:$0x1] =	stream.indirect.gather [hbm4b:s3+s15], $0x40, s2, s15, $0xb8;
	[tilespmem:$0x1F400] =	vst v63  }
0x1a: {  	_ = 	snop  }
0x1b: {  	[tilespmem:s17], [sflag:$0x2] =	stream.indirect.gather [hbm4b:s3+s15], $0x40, s15, s15, $0xb8;
	[tilespmem:$0x1F400] =	vst v63  }
0x1c: {  	s4 =	simm.s32 $0x320  }
0x1d: {  	[tilespmem:s19], [sflag:$0x3] =	stream.indirect.gather [hbm4b:s3+s15], $0x40, s4, s15, $0xb8;
	[tilespmem:$0x1F400] =	vst v63  }
0x1e: {  	_ =	swait.ge [sflag:s20], $0x6400  }
0x1f: {  	[sflag:s20] =	ssyncset.done $0x0  }
0x20: {  	[sflag:s20] =	ssyncadd.s32 $0xFFFF9C00  }
0x21: {  	[hbm4b:s5+s2] =	stream.linear.scatter [tilespmem:s16], [sflag:$0x5], $0x6400, $0x38;
	[tilespmem:$0x1F400] =	vst v63  }
0x22: {  	s6 =	simm.s32 $0x4B0  }
0x23: {  	[tilespmem:s22], [sflag:$0x4] =	stream.indirect.gather [hbm4b:s3+s15], $0x40, s6, s15, $0xb8;
	[tilespmem:$0x1F400] =	vst v63  }
0x24: {  	_ =	swait.ge [sflag:s23], $0x6400  }
0x25: {  	[sflag:s23] =	ssyncset.done $0x0  }
0x26: {  	s7 =	rddreg [dreg:$0x4];
	[sflag:s23] =	ssyncadd.s32 $0xFFFF9C00  }
0x27: {  	[hbm4b:s7+s2] =	stream.linear.scatter [tilespmem:s17], [sflag:$0x6], $0x6400, $0x38;
	[tilespmem:$0x1F400] =	vst v63  }
0x28: {  	_ =	swait.ge [sflag:s24], $0x6400  }
0x29: {  	[sflag:s24] =	ssyncset.done $0x0  }
0x2a: {  	s8 =	simm.s32 $0x640;
	[sflag:s24] =	ssyncadd.s32 $0xFFFF9C00  }
0x2b: {  	[tilespmem:s16], [sflag:$0x1] =	stream.indirect.gather [hbm4b:s3+s15], $0x40, s8, s15, $0xb8;
	[tilespmem:$0x1F400] =	vst v63  }
0x2c: {  	_ =	swait.ge [sflag:s25], $0x6400  }
0x2d: {  	[sflag:s25] =	ssyncset.done $0x0  }
0x2e: {  	[sflag:s25] =	ssyncadd.s32 $0xFFFF9C00  }
0x2f: {  	[hbm4b:s11+s2] =	stream.linear.scatter [tilespmem:s19], [sflag:$0x7], $0x6400, $0x38;
	[tilespmem:$0x1F400] =	vst v63  }
0x30: {  	_ =	swait.ge [sflag:s26], $0x6400  }
0x31: {  	[sflag:s26] =	ssyncset.done $0x0  }
0x32: {  	s9 =	simm.s32 $0x7D0;
	[sflag:s26] =	ssyncadd.s32 $0xFFFF9C00  }
0x33: {  	[tilespmem:s17], [sflag:$0x2] =	stream.indirect.gather [hbm4b:s3+s15], $0x40, s9, s15, $0xb8;
	[tilespmem:$0x1F400] =	vst v63  }
0x34: {  	_ =	swait.ge [sflag:s28], $0x6400  }
0x35: {  	[sflag:s28] =	ssyncset.done $0x0  }
0x36: {  	[sflag:s28] =	ssyncadd.s32 $0xFFFF9C00  }
0x37: {  	[hbm4b:s10+s2] =	stream.linear.scatter [tilespmem:s22], [sflag:$0x8], $0x6400, $0x38;
	[tilespmem:$0x1F400] =	vst v63  }
0x38: {  	_ =	swait.ge [sflag:s29], $0x6400  }
0x39: {  	[sflag:s29] =	ssyncset.done $0x0  }
0x3a: {  	s18 =	simm.s32 $0x960;
	[sflag:s29] =	ssyncadd.s32 $0xFFFF9C00  }
0x3b: {  	[tilespmem:s19], [sflag:$0x3] =	stream.indirect.gather [hbm4b:s3+s15], $0x40, s18, s15, $0xb8;
	[tilespmem:$0x1F400] =	vst v63  }
0x3c: {  	_ =	swait.ge [sflag:s20], $0x6400  }
0x3d: {  	[sflag:s20] =	ssyncset.done $0x0  }
0x3e: {  	[sflag:s20] =	ssyncadd.s32 $0xFFFF9C00  }
0x3f: {  	[hbm4b:s13+s2] =	stream.linear.scatter [tilespmem:s16], [sflag:$0x5], $0x6400, $0x38;
	[tilespmem:$0x1F400] =	vst v63  }
0x40: {  	_ =	swait.ge [sflag:s30], $0x6400  }
0x41: {  	[sflag:s30] =	ssyncset.done $0x0  }
0x42: {  	s21 =	simm.s32 $0xAF0;
	[sflag:s30] =	ssyncadd.s32 $0xFFFF9C00  }
0x43: {  	[tilespmem:s22], [sflag:$0x4] =	stream.indirect.gather [hbm4b:s3+s15], $0x40, s21, s15, $0xb8;
	[tilespmem:$0x1F400] =	vst v63  }
0x44: {  	_ =	swait.ge [sflag:s23], $0x6400  }
0x45: {  	[sflag:s23] =	ssyncset.done $0x0  }
0x46: {  	s1 =	sadd.s32 $0x3200, s12;
	s0 =	sadd.s32 $0x3200, s13;
	[sflag:s23] =	ssyncadd.s32 $0xFFFF9C00  }
0x47: {  	[hbm4b:s12+s2] =	stream.linear.scatter [tilespmem:s17], [sflag:$0x6], $0x6400, $0x38;
	[tilespmem:$0x1F400] =	vst v63  }
0x48: {  	s4 =	sadd.s32 $0x3200, s11;
	s6 =	simm.s32 $0x3200;
	_ =	swait.ge [sflag:s24], $0x6400  }
0x49: {  	s18 =	sadd.s32 $0x3200, s10;
	s21 =	simm.s32 $0x640;
	[sflag:s24] =	ssyncset.done $0x0  }
.LBB2_2:
0x4a: {  	s9 =	sadd.s32 $0x640, s21  }
0x4b: {  	[sflag:s24] =	ssyncadd.s32 $0xFFFF9C00;
	s7 =	smov.u32 s6;
	s8 =	sadd.s32 $0x1900, s6  }
0x4c: {  	[tilespmem:s16], [sflag:$0x1] =	stream.indirect.gather [hbm4b:s3+s15], $0x40, s9, s15, $0xb8;
	[tilespmem:$0x1F400] =	vst v63  }
0x4d: {  	p0 =	sne.s32 s6, $0x15E00;
	_ =	swait.ge [sflag:s25], $0x6400  }
0x4e: {  	[sflag:s25] =	ssyncset.done $0x0  }
0x4f: {  	[sflag:s25] =	ssyncadd.s32 $0xFFFF9C00  }
0x50: {  	[hbm4b:s4+s2] =	stream.linear.scatter [tilespmem:s19], [sflag:$0x7], $0x6400, $0x38;
	[tilespmem:$0x1F400] =	vst v63  }
0x51: {  	_ =	swait.ge [sflag:s26], $0x6400  }
0x52: {  	[sflag:s26] =	ssyncset.done $0x0  }
0x53: {  	s6 =	sadd.s32 $0x7D0, s21;
	[sflag:s26] =	ssyncadd.s32 $0xFFFF9C00  }
0x54: {  	[tilespmem:s17], [sflag:$0x2] =	stream.indirect.gather [hbm4b:s3+s15], $0x40, s6, s15, $0xb8;
	[tilespmem:$0x1F400] =	vst v63  }
0x55: {  	_ =	swait.ge [sflag:s28], $0x6400  }
0x56: {  	[sflag:s28] =	ssyncset.done $0x0  }
0x57: {  	[sflag:s28] =	ssyncadd.s32 $0xFFFF9C00  }
0x58: {  	[hbm4b:s18+s2] =	stream.linear.scatter [tilespmem:s22], [sflag:$0x8], $0x6400, $0x38;
	[tilespmem:$0x1F400] =	vst v63  }
0x59: {  	_ =	swait.ge [sflag:s29], $0x6400  }
0x5a: {  	[sflag:s29] =	ssyncset.done $0x0  }
0x5b: {  	s6 =	sadd.s32 $0x960, s21;
	[sflag:s29] =	ssyncadd.s32 $0xFFFF9C00  }
0x5c: {  	[tilespmem:s19], [sflag:$0x3] =	stream.indirect.gather [hbm4b:s3+s15], $0x40, s6, s15, $0xb8;
	[tilespmem:$0x1F400] =	vst v63  }
0x5d: {  	_ =	swait.ge [sflag:s20], $0x6400  }
0x5e: {  	[sflag:s20] =	ssyncset.done $0x0  }
0x5f: {  	[sflag:s20] =	ssyncadd.s32 $0xFFFF9C00  }
0x60: {  	[hbm4b:s0+s2] =	stream.linear.scatter [tilespmem:s16], [sflag:$0x5], $0x6400, $0x38;
	[tilespmem:$0x1F400] =	vst v63  }
0x61: {  	_ =	swait.ge [sflag:s30], $0x6400  }
0x62: {  	[sflag:s30] =	ssyncset.done $0x0  }
0x63: {  	s6 =	sadd.s32 $0xAF0, s21;
	[sflag:s30] =	ssyncadd.s32 $0xFFFF9C00  }
0x64: {  	[tilespmem:s22], [sflag:$0x4] =	stream.indirect.gather [hbm4b:s3+s15], $0x40, s6, s15, $0xb8;
	[tilespmem:$0x1F400] =	vst v63  }
0x65: {  	_ =	swait.ge [sflag:s23], $0x6400  }
.Ltmp0:
0x66: {  	[sflag:s23] =	ssyncset.done $0x0;
	(pc) =	sbr.rel @p0 .LBB2_2-.Ltmp0, $4  }
0x67: {  	s4 =	sadd.s32 $0x3200, s4;
	s0 =	sadd.s32 $0x3200, s0;
	[sflag:s23] =	ssyncadd.s32 $0xFFFF9C00  }
0x68: {  	[hbm4b:s1+s2] =	stream.linear.scatter [tilespmem:s17], [sflag:$0x6], $0x6400, $0x38;
	[tilespmem:$0x1F400] =	vst v63  }
0x69: {  	s18 =	sadd.s32 $0x3200, s18;
	s1 =	sadd.s32 $0x3200, s1;
	_ =	swait.ge [sflag:s24], $0x6400  }
0x6a: {  	s21 =	sshra.s32 s7, $0x2;
	s6 =	smov.u32 s8;
	[sflag:s24] =	ssyncset.done $0x0  }
0x6b: {  	s6 =	sadd.s32 $0x640, s21;
	[sflag:s24] =	ssyncadd.s32 $0xFFFF9C00  }
0x6c: {  	[tilespmem:s16], [sflag:$0x1] =	stream.indirect.gather [hbm4b:s3+s15], $0x40, s6, s15, $0xb8;
	[tilespmem:$0x1F400] =	vst v63  }
0x6d: {  	_ =	swait.ge [sflag:s25], $0x6400  }
0x6e: {  	[sflag:s25] =	ssyncset.done $0x0  }
0x6f: {  	[sflag:s25] =	ssyncadd.s32 $0xFFFF9C00  }
0x70: {  	[hbm4b:s4+s2] =	stream.linear.scatter [tilespmem:s19], [sflag:$0x7], $0x6400, $0x38;
	[tilespmem:$0x1F400] =	vst v63  }
0x71: {  	_ =	swait.ge [sflag:s26], $0x6400  }
0x72: {  	[sflag:s26] =	ssyncset.done $0x0  }
0x73: {  	s6 =	sadd.s32 $0x7D0, s21;
	[sflag:s26] =	ssyncadd.s32 $0xFFFF9C00  }
0x74: {  	[tilespmem:s17], [sflag:$0x2] =	stream.indirect.gather [hbm4b:s3+s15], $0x40, s6, s15, $0xb8;
	[tilespmem:$0x1F400] =	vst v63  }
0x75: {  	_ =	swait.ge [sflag:s28], $0x6400  }
0x76: {  	[sflag:s28] =	ssyncset.done $0x0  }
0x77: {  	[sflag:s28] =	ssyncadd.s32 $0xFFFF9C00  }
0x78: {  	[hbm4b:s18+s2] =	stream.linear.scatter [tilespmem:s22], [sflag:$0x8], $0x6400, $0x38;
	[tilespmem:$0x1F400] =	vst v63  }
0x79: {  	_ =	swait.ge [sflag:s29], $0x6400  }
0x7a: {  	[sflag:s29] =	ssyncset.done $0x0  }
0x7b: {  	s7 =	sadd.s32 $0x960, s21;
	[sflag:s29] =	ssyncadd.s32 $0xFFFF9C00  }
0x7c: {  	[tilespmem:s19], [sflag:$0x3] =	stream.indirect.gather [hbm4b:s3+s15], $0x40, s7, s15, $0xb8;
	[tilespmem:$0x1F400] =	vst v63  }
0x7d: {  	_ =	swait.ge [sflag:s20], $0x6400  }
0x7e: {  	[sflag:s20] =	ssyncset.done $0x0  }
0x7f: {  	[sflag:s20] =	ssyncadd.s32 $0xFFFF9C00  }
0x80: {  	[hbm4b:s0+s2] =	stream.linear.scatter [tilespmem:s16], [sflag:$0x5], $0x6400, $0x38;
	[tilespmem:$0x1F400] =	vst v63  }
0x81: {  	_ =	swait.ge [sflag:s30], $0x6400  }
0x82: {  	[sflag:s30] =	ssyncset.done $0x0  }
0x83: {  	s8 =	sadd.s32 $0xAF0, s21;
	[sflag:s30] =	ssyncadd.s32 $0xFFFF9C00  }
0x84: {  	[tilespmem:s22], [sflag:$0x4] =	stream.indirect.gather [hbm4b:s3+s15], $0x40, s8, s15, $0xb8;
	[tilespmem:$0x1F400] =	vst v63  }
0x85: {  	_ =	swait.ge [sflag:s23], $0x6400  }
0x86: {  	[sflag:s23] =	ssyncset.done $0x0  }
0x87: {  	[sflag:s23] =	ssyncadd.s32 $0xFFFF9C00  }
0x88: {  	[hbm4b:s1+s2] =	stream.linear.scatter [tilespmem:s17], [sflag:$0x6], $0x6400, $0x38;
	[tilespmem:$0x1F400] =	vst v63  }
0x89: {  	_ =	swait.ge [sflag:s24], $0x6400  }
0x8a: {  	[sflag:s24] =	ssyncset.done $0x0  }
0x8b: {  	[sflag:s24] =	ssyncadd.s32 $0xFFFF9C00  }
0x8c: {  	_ =	swait.ge [sflag:s25], $0x6400  }
0x8d: {  	[sflag:s25] =	ssyncset.done $0x0  }
0x8e: {  	s9 =	rddreg [dreg:$0x5];
	[sflag:s25] =	ssyncadd.s32 $0xFFFF9C00  }
0x8f: {  	[hbm4b:s9+s2] =	stream.linear.scatter [tilespmem:s19], [sflag:$0x7], $0x6400, $0x38;
	[tilespmem:$0x1F400] =	vst v63  }
0x90: {  	_ =	swait.ge [sflag:s26], $0x6400  }
0x91: {  	[sflag:s26] =	ssyncset.done $0x0  }
0x92: {  	[sflag:s26] =	ssyncadd.s32 $0xFFFF9C00  }
0x93: {  	_ =	swait.ge [sflag:s28], $0x6400  }
0x94: {  	[sflag:s28] =	ssyncset.done $0x0  }
0x95: {  	s18 =	rddreg [dreg:$0x6];
	[sflag:s28] =	ssyncadd.s32 $0xFFFF9C00  }
0x96: {  	[hbm4b:s18+s2] =	stream.linear.scatter [tilespmem:s22], [sflag:$0x8], $0x6400, $0x38;
	[tilespmem:$0x1F400] =	vst v63  }
0x97: {  	_ =	swait.ge [sflag:s29], $0x6400  }
0x98: {  	[sflag:s29] =	ssyncset.done $0x0  }
0x99: {  	[sflag:s29] =	ssyncadd.s32 $0xFFFF9C00  }
0x9a: {  	_ =	swait.ge [sflag:s30], $0x6400  }
0x9b: {  	s31 =	sadd.s32 $0x1, s31;
	s21 =	rddreg [dreg:$0x7]  }
0x9c: {  	p0 =	sne.s32 s31, s21  }
.Ltmp1:
0x9d: {  	_ = 	snop;
	(pc) =	sbr.rel @p0 .LBB2_1-.Ltmp1, $3  }
0x9e: {  	_ =	sdelay $0x1  }
0x9f: {  	[sflag:s30] =	ssyncset.done $0x0  }
0xa0: {  	[sflag:s30] =	ssyncadd.s32 $0xFFFF9C00  }
0xa1: {  	_ =	sfence.sel $0x180000  }
0xa2: {  	[bflag:$0x0] =	sbarrier.arrive $0xFFFF  }
0xa3: {  	_ =	strace $0x90000047  }
0xa4: {  	s0 =	stileid.u32;
	[bflag:$0x2] =	sbarrier.arrive $0xFFFF  }
0xa5: {  	p0 =	sne.s32 s0, $0x0;
	s0 =	rddreg [dreg:$0x2]  }
0xa6: {  	s0 =	sadd.s32 @!p0 $0x100000, s0  }
0xa7: {  	[sflag:s0] =	ssyncadd.tile.s32 @!p0 $0x1;
	_ =	shalt  }
.Lfunc_end2:
_tile_overlayer_lowered:
.L_overlay_start_2:
0xa8: {  	(tag) =	ssettag $0x2  }
0xa9: {  	s0 =	rddreg [dreg:$0x0];
	s2 =	stileid.u32  }
0xaa: {  	s1 =	rddreg [dreg:$0x1];
	p0 =	sne.s32 s2, $0x0  }
0xab: {  	s3 =	rddreg [dreg:$0x2];
	[bflag:$0x3] =	sbarrier.arrive $0xFFFF;
	s2 =	simm.s32 @!p0 $0x1C09  }
0xac: {  	[timem:s3], [sflag:s2] =	dma.local @!p0 [hbm:s0], s1  }
0xad: {  	s0 =	simm.s32 @!p0 $0x9  }
0xae: {  	_ =	swait.ge @!p0 [sflag:s0], s1  }
0xaf: {  	s1 =	ssub.s32 @!p0 $0x0, s1;
	[sflag:s0] =	ssyncset.done @!p0 $0x0  }
0xb0: {  	[sflag:s0] =	ssyncadd.s32 @!p0 s1  }
0xb1: {  	[bflag:$0x3] =	sbarrier.arrive $0xFFFF  }
0xb2: {  	_ =	shalt  }

// kernel: sparse-core-data-format-call.cloned.1.call-start
scs
called_computation_lowered:
.L_overlay_start_0:
0x0: {  	s2 =	sld [smem:$0x3FD9]  }
0x1: {  	s3 =	sld [smem:$0x3FFE];
	_ =	sdelay $0x1  }
0x2: {  	s1 =	srdreg.scid  }
0x3: {  	s0 =	sand.u32 $0x1, s1  }
0x4: {  	s18 =	sshll.u32 s0, $0xA;
	s2 =	sadd.s32 s3, s2  }
0x5: {  	s2 =	sadd.s32 s2, s18  }
0x6: {  	[smem:$0x3FC6] =	sst s2  }
0x7: {  	_ = 	snop  }
0x8: {  	s2 =	sld [smem:$0x3FD0];
	(tm) =	ssettm $0x1  }
0x9: {  	s19 =	sld [smem:$0x3FFB];
	_ =	sdelay $0x3  }
0xa: {  	_ =	strace s19  }
0xb: {  	s3 =	sld [smem:$0x3FFC];
	_ =	sdelay $0x3  }
0xc: {  	_ =	strace s3  }
0xd: {  	s3 =	sld [smem:$0x3FFD];
	_ =	sdelay $0x3  }
0xe: {  	_ =	strace s3  }
0xf: {  	_ =	strace $0x8FFFFFFF  }
0x10: {  	s20 =	sld [smem:$0x3FDB];
	_ =	sdelay $0x1  }
0x11: {  	s4 =	simm.s32 $_scs_section_size  }
0x12: {  	s5 =	simm.s32 $_size__tile_overlayer_lowered;
	s6 =	simm.s32 $_tile_overlayer_lowered  }
0x13: {  	s23 =	simm.s32 $0x1BFF;
	s22 =	sshll.u32 s6, $0x1;
	s3 =	sadd.s32 s4, s20  }
0x14: {  	s7 =	simm.s32 $0x0;
	s21 =	sshll.u32 s5, $0x1;
	s5 =	sadd.s32 s22, s3  }
0x15: {  	[timem:s7], [sflag:s23] =	dma.local [hbm:s5], s21  }
0x16: {  	_ =	swait.ge [sflag:s23], s21  }
0x17: {  	s4 =	ssub.s32 $0x0, s21;
	[sflag:s23] =	ssyncset.done $0x0  }
0x18: {  	[sflag:s23] =	ssyncadd.s32 s4;
	_ =	sdelay $0x1  }
0x19: {  	s24 =	simm.s32 $0x1B8B  }
0x1a: {  	_ =	swait.ge [sflag:s24], $0x1  }
0x1b: {  	[sflag:s24] =	ssyncset.done $0x0  }
0x1c: {  	s26 =	simm.s32 $0x1B8E;
	s25 =	sld [smem:$0x3FFE];
	[sflag:s24] =	ssyncadd.s32 $0xFFFFFFFF  }
0x1d: {  	s27 =	simm.s32 $execute0_lowered;
	[smem:$0x3FD2] =	sst s26  }
0x1e: {  	s5 =	sshll.u32 s27, $0x1;
	_ =	strace $0x80000049;
	[dreg:$0x1] =	wrdreg $0xFFFFFFFF  }
0x1f: {  	s28 =	simm.s32 $_size_execute0_lowered;
	s3 =	sadd.s32 s3, s5;
	[dreg:$0x0] =	wrdreg $0x0  }
0x20: {  	s5 =	sshll.u32 s28, $0x1;
	[dreg:$0x2] =	wrdreg s3  }
0x21: {  	[dreg:$0x3] =	wrdreg s5  }
0x22: {  	[dreg:$0x4] =	wrdreg $0xC0  }
0x23: {  	_ =	task [dreg:s7], $0x5FFFF  }
0x24: {  	[dreg:$0x1] =	wrdreg $0xFFFFFFFF  }
0x25: {  	[dreg:$0x0] =	wrdreg $0x60  }
0x26: {  	[dreg:$0x2] =	wrdreg s25  }
0x27: {  	[dreg:$0x3] =	wrdreg s2  }
0x28: {  	[dreg:$0x4] =	wrdreg $0x9  }
0x29: {  	_ =	task.clear_ibuf [dreg:s7], $0x5FFFF;
	_ =	strace $0x90000049  }
0x2a: {  	s29 =	simm.s32 $0x9;
	_ =	strace $0x8000004B  }
0x2b: {  	_ =	swait.ge [sflag:s29], $0x1  }
0x2c: {  	[sflag:s29] =	ssyncadd.s32 $0xFFFFFFFF  }
0x2d: {  	_ =	strace $0x9000004B  }
0x2e: {  	_ =	sfence  }
0x2f: {  	s30 =	sld [smem:$0x0];
	_ =	sdelay $0x2  }
0x30: {  	s31 =	sshll.u32 s1, $0xD;
	s1 =	sshrl.u32 s1, $0x2  }
0x31: {  	s3 =	sand.u32 $0x4000, s31;
	s1 =	sadd.s32 s1, s30  }
0x32: {  	s0 =	sor.u32 s3, s0;
	s1 =	sshll.u32 s1, $0x11  }
0x33: {  	s0 =	sor.u32 s1, s0  }
0x34: {  	s0 =	sadd.s32 $0x8F2B, s0  }
0x35: {  	[sflag:s0] =	ssyncadd.remote.s32 $0x1  }
0x36: {  	_ =	sfence.sel $0xFFFF  }
0x37: {  	[dreg:$0x0] =	wrdreg $0xFFFFFFFF;
	(pc) =	sbr.abs _section_cstart, $3  }
0x38: {  	[dreg:$0x1] =	wrdreg $0xFFFFFFFF  }
0x39: {  	_ =	task.clear_ibuf [dreg:s7], $0x2FFFF;
	_ =	strace $0x9FFFFFFF  }
0x3a: {  	(tm) =	ssettm $0x7FFFFFFF  }
0x3b: {  	_ =	shalt  }
tec
execute0_lowered:
.L_overlay_start_1:
0x0: {  	(tag) =	ssettag $0x1  }
0x1: {  	s0 =	srdreg.scid  }
0x2: {  	s1 =	sshll.u32 s0, $0x4  }
0x3: {  	s0 =	stileid.u32;
	s1 =	sand.u32 $0x10, s1  }
0x4: {  	s1 =	sor.u32 s0, s1  }
0x5: {  	s6 =	rddreg [dreg:$0x0];
	s4 =	simm.s32 $0x1;
	s2 =	sshll.u32 s1, $0x7  }
0x6: {  	s7 =	simm.s32 $0x2;
	s12 =	simm.s32 $0x0;
	s1 =	ssub.s32 $0x1000, s2  }
0x7: {  	s8 =	simm.s32 $0x8000;
	s13 =	simm.s32 $0x0;
	s3 =	sand.u32 $0xF80, s1  }
0x8: {  	s9 =	simm.s32 $0x0;
	s5 =	sshrl.u32 s1, $0xC;
	p0 =	sne.s32 s3, $0x0  }
.Ltmp0:
0x9: {  	s1 =	rddreg [dreg:$0x2];
	s4 =	simm.s32 @!p0 $0x0;
	(pc) =	sbr.rel .LBB1_1-.Ltmp0, $4  }
0xa: {  	s11 =	simm.s32 $0x0;
	s3 =	rddreg [dreg:$0x1];
	s5 =	sadd.s32 s4, s5  }
0xb: {  	_ =	strace $0x8000004A;
	s4 =	simm.s32 $0x1;
	s5 =	smul.u32 $0xC8, s5  }
0xc: {  	s6 =	sadd.s32 $0xA00, s6;
	s10 =	smov.u32 s2;
	[sflag:s4] =	ssyncpa.u1 $0x0  }
0xd: {  	p0 =	por $0x0, $0x0;
	[sflag:s7] =	ssyncpa.u1 $0x0;
	s7 =	sor.u32 $0x1, s5  }
.LBB1_4:
0xe: {  	s16 =	sshll.u32 s13, $0x3;
	s17 =	sand.u32 $0x78, s13  }
0xf: {  	s30 =	sand.u32 $0x7E00, s13;
	s12 =	sshll.u32 s12, $0xF;
	s16 =	sand.u32 $0xC00, s16  }
0x10: {  	[tilespmem:s15+$0x810 ss:$0x81] =	vst.msk $0xffff, v2;
	s31 =	sand.u32 $0x7, s13;
	s16 =	sor.u32 s17, s16;
	s17 =	sadd.s32 s3, s30  }
0x11: {  	[tilespmem:s15+$0x1020 ss:$0x81] =	vst.msk $0xffff, v0;
	s13 =	sshll.u32 s31, $0x12;
	s12 =	sadd.s32 s12, s17;
	s16 =	sshrl.u32 s16, $0x3  }
0x12: {  	[tilespmem:s15+$0x0 ss:$0x81] =	vst.msk $0xffff, v1;
	s13 =	sor.u32 $0x400, s13;
	s12 =	sadd.s32 s16, s12  }
0x13: {  	[hbm4b:s12+s13] =	stream.strided.scatter [tilespmem:s14], [sflag:$0x2], $0x2000, s8, s13, $0x20;
	[tilespmem:$0x8080] =	vst v63  }
.LBB1_5:
0x14: {  	s14 =	sadd.s32 $0x1, s9  }
0x15: {  	s12 =	sadd.s32 $0x1000, s10;
	s16 =	smov.u32 s10;
	p2 =	sgt.s32 s14, $0xC7  }
0x16: {  	s16 =	smov.u32 @p2 s12  }
0x17: {  	s14 =	simm.s32 @p2 $0x0;
	p2 =	sgt.s32 s16, $0xFFF  }
0x18: {  	s16 =	smov.u32 @p2 s2;
	p2 =	sne.s32 s11, s7  }
.Ltmp1:
0x19: {  	p1 =	slt.u32 s11, $0x2;
	(pc) =	sbr.rel @!p2 .LBB1_6-.Ltmp1, $4  }
0x1a: {  	s15 =	simm.s32 @!p1 $0x2  }
0x1b: {  	s13 =	smov.u32 s10;
	p0 =	por !p0, !p0;
	_ =	swait.ge @!p1 [sflag:s15], $0x2000  }
0x1c: {  	s12 =	smov.u32 s9;
	[sflag:s15] =	ssyncset.done @!p1 $0x0;
	s9 =	smov.u32 s14  }
0x1d: {  	s11 =	sadd.s32 $0x1, s11;
	[sflag:s15] =	ssyncadd.s32 @!p1 $0xFFFFE000;
	s10 =	smov.u32 s16  }
.LBB1_1:
0x1e: {  	p1 =	sge.u32 s11, s5  }
0x1f: {  	s14 =	sand.u32 @!p1 $0x1FFFFFF, s9  }
0x20: {  	s15 =	smulhi.u32 @!p1 $0x147AE15, s14;
	_ =	sdelay $0x1  }
0x21: {  	s15 =	smul.u32 @!p1 $0xC8, s15  }
0x22: {  	s16 =	sxor.u32 @!p1 $0xFFFFFFFF, s11;
	s17 =	smul.u32 @!p1 $0xC80, s10  }
0x23: {  	s31 =	sadd.s32 $0xFFFFFFFF, s11;
	s16 =	sshll.u32 @!p1 s16, $0xD;
	s14 =	ssub.s32 @!p1 s14, s15  }
0x24: {  	s15 =	sand.u32 @!p1 $0x2000, s16;
	s16 =	sadd.s32 @!p1 s6, s17;
	s14 =	sshll.u32 @!p1 s14, $0x4  }
0x25: {  	s17 =	simm.s32 @!p1 $0x6400;
	s14 =	sadd.s32 @!p1 s14, s16;
	s16 =	simm.s32 @!p1 $0x40  }
0x26: {  	[tilespmem:s15], [sflag:$0x1] =	stream.strided.gather @!p1 [hbm4b:s14+s16], $0x2000, s17, s16, $0x38;
	[tilespmem:$0x8080] =	vst v63  }
0x27: {  	p1 =	sge.u32 s31, s5  }
.Ltmp2:
0x28: {  	_ = 	snop;
	(pc) =	sbr.rel @p1 .LBB1_5-.Ltmp2, $1  }
0x29: {  	_ =	sdelay $0x3  }
0x2a: {  	s14 =	simm.s32 $0x1  }
0x2b: {  	_ =	swait.ge [sflag:s4], $0x2000;
	s14 =	simm.s32 @!p0 $0x0  }
0x2c: {  	[sflag:s4] =	ssyncset.done $0x0;
	s15 =	sshll.u32 s14, $0xD  }
0x2d: {  	[sflag:s4] =	ssyncadd.s32 $0xFFFFE000;
	s18 =	sor.u32 $0x20, s15  }
0x2e: {  	s14 =	smul.u32 $0x8100, s14;
	v3 =	vld [tilespmem:s18+$0x10]  }
0x2f: {  	s30 =	sand.u32 $0x1, s11;
	v2 =	vld [tilespmem:s18+$0xFFFFFFF0]  }
0x30: {  	s15 =	smul.u32 $0x8100, s30;
	s14 =	sshrl.u32 s14, $0x2;
	v0 =	vld [tilespmem:s18+$0x0]  }
0x31: {  	v1 =	vld [tilespmem:s18+$0xFFFFFFE0];
	s16 =	sor.u32 $0x4000, s14  }
0x32: {  	s31 =	sshrl.u32 s15, $0x2;
	s15 =	sadd.s32 $0x0, s16  }
0x33: {  	s17 =	simm.s32 $0x4;
	s18 =	sadd.s32 $0x40, s18;
	s14 =	sor.u32 $0x4000, s31;
	[tilespmem:s15+$0x1830 ss:$0x81] =	vst.msk $0xffff, v3  }
.LBB1_3:
0x34: {  	v3 =	vld [tilespmem:s18+$0x10];
	p1 =	sne.s32 s17, $0x1FC;
	[tilespmem:s15+$0x810 ss:$0x81] =	vst.msk $0xffff, v2;
	s19 =	smov.u32 s17;
	s17 =	sadd.s32 $0x4, s17  }
.Ltmp3:
0x35: {  	v2 =	vld [tilespmem:s18+$0xFFFFFFF0];
	[tilespmem:s15+$0x1020 ss:$0x81] =	vst.msk $0xffff, v0;
	(pc) =	sbr.rel @p1 .LBB1_3-.Ltmp3, $4  }
0x36: {  	v0 =	vld [tilespmem:s18+$0x0];
	[tilespmem:s15+$0x0 ss:$0x81] =	vst.msk $0xffff, v1  }
0x37: {  	s15 =	sshra.s32 s19, $0x2;
	v1 =	vld [tilespmem:s18+$0xFFFFFFE0]  }
0x38: {  	s15 =	sadd.s32 s15, s16  }
0x39: {  	s18 =	sadd.s32 $0x40, s18;
	[tilespmem:s15+$0x1830 ss:$0x81] =	vst.msk $0xffff, v3  }
.Ltmp4:
0x3a: {  	_ = 	snop;
	(pc) =	sbr.rel .LBB1_4-.Ltmp4, $1  }
0x3b: {  	_ =	sdelay $0x3  }
.LBB1_6:
0x3c: {  	_ =	sfence.sel $0x180000  }
0x3d: {  	s2 =	simm.s32 $0x1;
	[bflag:$0x0] =	sbarrier.arrive $0xFFFF  }
0x3e: {  	s31 =	simm.s32 $0x2;
	[sflag:s2] =	ssyncpa.u1 $0x1  }
0x3f: {  	[sflag:s31] =	ssyncpa.u1 $0x1  }
0x40: {  	p0 =	sne.s32 s0, $0x0;
	_ =	strace $0x9000004A  }
0x41: {  	s0 =	sadd.s32 @!p0 $0x100000, s1;
	[bflag:$0x2] =	sbarrier.arrive $0xFFFF  }
0x42: {  	[sflag:s0] =	ssyncadd.tile.s32 @!p0 $0x1;
	_ =	shalt  }
.Lfunc_end1:
_tile_overlayer_lowered:
.L_overlay_start_2:
0x43: {  	(tag) =	ssettag $0x2  }
0x44: {  	s0 =	rddreg [dreg:$0x0];
	s2 =	stileid.u32  }
0x45: {  	s1 =	rddreg [dreg:$0x1];
	p0 =	sne.s32 s2, $0x0  }
0x46: {  	s3 =	rddreg [dreg:$0x2];
	[bflag:$0x3] =	sbarrier.arrive $0xFFFF;
	s2 =	simm.s32 @!p0 $0x1C01  }
0x47: {  	[timem:s3], [sflag:s2] =	dma.local @!p0 [hbm:s0], s1  }
0x48: {  	s0 =	simm.s32 @!p0 $0x1  }
0x49: {  	_ =	swait.ge @!p0 [sflag:s0], s1  }
0x4a: {  	s1 =	ssub.s32 @!p0 $0x0, s1;
	[sflag:s0] =	ssyncset.done @!p0 $0x0  }
0x4b: {  	[sflag:s0] =	ssyncadd.s32 @!p0 s1  }
0x4c: {  	[bflag:$0x3] =	sbarrier.arrive $0xFFFF  }
0x4d: {  	_ =	shalt  }

</sc_bundles>
